<compile_context>
chip_gen: v7x
topology: tpu7x:2x2x1
jax: 0.10.2.dev20260603
libtpu: 0.0.44.dev20260713+nightly
codegen_flags: <defaults>
</compile_context>

<pallas_src>
import functools

import jax
import jax.numpy as jnp
import numpy as np
from jax.experimental import pallas as pl
from jax.experimental.pallas import tpu as pltpu

_CUTOFF = 5.0
_N_SPECIES = 4
_BESSEL_ZEROS = [
    np.array([3.141592653589793, 6.283185307179586, 9.42477796076938,
              12.566370614359172, 15.707963267948966, 18.84955592153876,
              21.991148575128552, 25.132741228718345]),
    np.array([4.493409457909064, 7.725251836937707, 10.904121659428899,
              14.066193912831473, 17.220755271930768, 20.371302959287563,
              23.519452498689006]),
    np.array([5.76345919689455, 9.095011330476355, 12.322940970566582,
              15.514603010886749, 18.689036355362822, 21.853874222709714]),
]
_NL = [8, 7, 6]
_MOFF = [0, 8, 29]
_MS = [8, 21, 30]
_F = 64

_EDGE_BLK = 640
_WIN_A = _EDGE_BLK + 8
_KEY_BLK = 1024
_WIN_B = _KEY_BLK + 8


def _bessel(l, x):
    x = jnp.maximum(x, 1e-8)
    if l == 0:
        return jnp.sin(x) / x
    if l == 1:
        return jnp.sin(x) / x**2 - jnp.cos(x) / x
    return (3.0 / x**3 - 1.0 / x) * jnp.sin(x) - 3.0 * jnp.cos(x) / x**2


def _accum_kernel(r0s_ref, rank_ref, rs_ref, out_ref):
    b = pl.program_id(0)

    @pl.when(b == 0)
    def _init():
        out_ref[...] = jnp.zeros_like(out_ref)

    blk = rs_ref.shape[0]
    R = rs_ref[...]
    x = R[:, 0:1]
    y = R[:, 1:2]
    z = R[:, 2:3]
    r = jnp.sqrt(x * x + y * y + z * z)
    r_safe = jnp.maximum(r, 1e-8)
    inv = 1.0 / r_safe
    xh, yh, zh = x * inv, y * inv, z * inv
    mask = (r < _CUTOFF).astype(jnp.float32)

    c1 = 0.4886025119029199
    c2 = 1.0925484305920792
    ys = [
        [jnp.full_like(x, 0.28209479177387814)],
        [c1 * yh, c1 * zh, c1 * xh],
        [c2 * xh * yh, c2 * yh * zh,
         0.31539156525252005 * (3.0 * zh * zh - 1.0),
         c2 * xh * zh, 0.5462742152960396 * (xh * xh - yh * yh)],
    ]
    pieces = []
    for l in range(3):
        rnl = jnp.concatenate(
            [_bessel(l, float(zz) * r_safe / _CUTOFF) for zz in _BESSEL_ZEROS[l]],
            axis=1) * mask
        for ylm in ys[l]:
            pieces.append(rnl * ylm)
    pieces.append(jnp.zeros((blk, _F - 59), dtype=jnp.float32))
    u = jnp.concatenate(pieces, axis=1)

    r0 = r0s_ref[b]
    r0a = (r0 // 8) * 8
    lr = rank_ref[...] - r0a
    iota = jax.lax.broadcasted_iota(jnp.int32, (blk, _WIN_A), 1)
    oh = (lr == iota).astype(jnp.float32)
    contrib = jax.lax.dot_general(
        oh, u, (((0,), (0,)), ((), ())),
        preferred_element_type=jnp.float32)
    cur = out_ref[pl.ds(r0a, _WIN_A), :]
    out_ref[pl.ds(r0a, _WIN_A), :] = cur + contrib


def _expand_kernel(rk0s_ref, rok_ref, occ_ref, w_ref, u_ref, out_ref):
    q = pl.program_id(0)
    rk0 = rk0s_ref[q]
    rk0a = (rk0 // 8) * 8
    uw = u_ref[pl.ds(rk0a, _WIN_B), :]
    nodes = rok_ref.shape[0]
    iota = jax.lax.broadcasted_iota(jnp.int32, (nodes, _WIN_B), 1)
    uks = []
    for sj in range(_N_SPECIES):
        lr = rok_ref[:, sj:sj + 1] - rk0a
        occ = occ_ref[:, sj:sj + 1]
        oh = jnp.where((lr == iota) & (occ > 0), 1.0, 0.0)
        uks.append(jax.lax.dot_general(
            oh, uw, (((1,), (0,)), ((), ())),
            preferred_element_type=jnp.float32))
    outs = []
    for s in range(_N_SPECIES):
        acc = uks[0] * w_ref[0, s]
        for sj in range(1, _N_SPECIES):
            acc = acc + uks[sj] * w_ref[sj, s]
        outs.append(acc)
    out_ref[...] = jnp.concatenate(outs, axis=1)


@jax.jit
def kernel(R_ij, i, j, species, structures, centers, W):
    n_nodes = species.shape[0]
    n_edges = i.shape[0]
    S = _N_SPECIES
    ks = ((n_nodes * S + _KEY_BLK - 1) // _KEY_BLK) * _KEY_BLK
    ur_size = ks + _KEY_BLK

    perm = jnp.argsort(species, stable=True)
    node_pos = jnp.zeros((n_nodes,), jnp.int32).at[perm].set(
        jnp.arange(n_nodes, dtype=jnp.int32))
    key = node_pos[i] * S + species[j]
    order = jnp.argsort(key)
    keys = key[order]
    rs = R_ij[order]

    pad = (-n_edges) % _EDGE_BLK
    if pad:
        keys = jnp.concatenate([keys, jnp.full((pad,), ks - 1, keys.dtype)])
        rs = jnp.concatenate(
            [rs, jnp.full((pad, 3), 2.0 * _CUTOFF, rs.dtype)])
    ep = n_edges + pad

    nb = jnp.concatenate([
        jnp.zeros((1,), jnp.int32),
        (keys[1:] != keys[:-1]).astype(jnp.int32)])
    rank = jnp.cumsum(nb).astype(jnp.int32)
    r0s = rank[::_EDGE_BLK]

    karr = jnp.arange(ks, dtype=keys.dtype)
    pos = jnp.searchsorted(keys, karr)
    posc = jnp.minimum(pos, ep - 1)
    occ = ((pos < ep) & (keys[posc] == karr)).astype(jnp.int32)
    rok = rank[posc]
    rk0s = rok[::_KEY_BLK]
    rok4 = rok.reshape(ks // S, S)
    occ4 = occ.reshape(ks // S, S)

    grid_a = ep // _EDGE_BLK
    u_acc = pl.pallas_call(
        _accum_kernel,
        grid_spec=pltpu.PrefetchScalarGridSpec(
            num_scalar_prefetch=1,
            grid=(grid_a,),
            in_specs=[
                pl.BlockSpec((_EDGE_BLK, 1), lambda b, r0s: (b, 0)),
                pl.BlockSpec((_EDGE_BLK, 3), lambda b, r0s: (b, 0)),
            ],
            out_specs=pl.BlockSpec((ur_size, _F), lambda b, r0s: (0, 0)),
        ),
        out_shape=jax.ShapeDtypeStruct((ur_size, _F), jnp.float32),
    )(r0s, rank[:, None], rs)

    grid_b = ks // _KEY_BLK
    nodes_blk = _KEY_BLK // S
    feat = pl.pallas_call(
        _expand_kernel,
        grid_spec=pltpu.PrefetchScalarGridSpec(
            num_scalar_prefetch=1,
            grid=(grid_b,),
            in_specs=[
                pl.BlockSpec((nodes_blk, S), lambda q, rk0s: (q, 0)),
                pl.BlockSpec((nodes_blk, S), lambda q, rk0s: (q, 0)),
                pl.BlockSpec(memory_space=pltpu.SMEM),
                pl.BlockSpec((ur_size, _F), lambda q, rk0s: (0, 0)),
            ],
            out_specs=pl.BlockSpec((nodes_blk, S * _F),
                                   lambda q, rk0s: (q, 0)),
        ),
        out_shape=jax.ShapeDtypeStruct((ks // S, S * _F), jnp.float32),
    )(rk0s, rok4, occ4, W, u_acc)

    feat = feat[:n_nodes].reshape(n_nodes, S, _F)
    counts = jnp.zeros((S,), jnp.int32).at[species].add(1)
    starts = jnp.concatenate(
        [jnp.zeros((1,), jnp.int32), jnp.cumsum(counts)[:-1]])
    species_sorted = species[perm]
    ranks_c = jnp.arange(n_nodes, dtype=jnp.int32) - starts[species_sorted]
    blocks = []
    for l in range(3):
        M = _MS[l]
        D = feat[:, :, _MOFF[l]:_MOFF[l] + M]
        base = starts[species_sorted] * (S * M) + ranks_c * M
        c_k = counts[species_sorted]
        idx = (base[:, None, None]
               + jnp.arange(S)[None, :, None] * c_k[:, None, None] * M
               + jnp.arange(M)[None, None, :])
        out_l = jnp.zeros((n_nodes * S * M,), jnp.float32).at[
            idx.reshape(-1)].set(D.reshape(-1))
        blocks.append(out_l)
    return jnp.concatenate(blocks)

# --- scband reference (transcript-rebuilt; emitter-appended) ---
"""Pipeline reference for scband-spherical-expansion-31731218382984 (READ-ONLY COPY).

The authoritative reference and input builder live on the scoring server;
editing this copy changes nothing except your own understanding.
"""

import jax, jax.numpy as jnp
import numpy as np

CUTOFF = 5.0
N_NODES = 10000
N_EDGES = 160000
N_SPECIES = 4
MAX_L = 2
BESSEL_ZEROS = [
    np.array([3.141592653589793, 6.283185307179586, 9.42477796076938, 12.566370614359172, 15.707963267948966, 18.84955592153876, 21.991148575128552, 25.132741228718345]),
    np.array([4.493409457909064, 7.725251836937707, 10.904121659428899, 14.066193912831473, 17.220755271930768, 20.371302959287563, 23.519452498689006]),
    np.array([5.76345919689455, 9.095011330476355, 12.322940970566582, 15.514603010886749, 18.689036355362822, 21.853874222709714]),
]

def _sph_bessel(l, x):
    x = jnp.maximum(x, 1e-8)
    if l == 0:
        return jnp.sin(x) / x
    if l == 1:
        return jnp.sin(x) / x**2 - jnp.cos(x) / x
    return (3.0 / x**3 - 1.0 / x) * jnp.sin(x) - 3.0 * jnp.cos(x) / x**2

def _real_sph_harm(rhat):
    x, y, z = rhat[:, 0], rhat[:, 1], rhat[:, 2]
    Y0 = jnp.full((x.shape[0], 1), 0.28209479177387814, dtype=rhat.dtype)
    c1 = 0.4886025119029199
    Y1 = jnp.stack([c1 * y, c1 * z, c1 * x], axis=1)
    c2 = 1.0925484305920792
    Y2 = jnp.stack([c2 * x * y, c2 * y * z, 0.31539156525252005 * (3.0 * z * z - 1.0), c2 * x * z, 0.5462742152960396 * (x * x - y * y)], axis=1)
    return [Y0, Y1, Y2]

def _expansion(R_ij, W, i_idx, j_idx, species):
    r = jnp.linalg.norm(R_ij, axis=1)
    r_safe = jnp.maximum(r, 1e-8)
    rhat = R_ij / r_safe[:, None]
    mask = (r < CUTOFF).astype(R_ij.dtype)
    Ys = _real_sph_harm(rhat)
    w = W[species[j_idx]]  # [E, n_pseudo] alchemical embedding of neighbor species
    outs = []
    for l in range(MAX_L + 1):
        z = jnp.asarray(BESSEL_ZEROS[l], dtype=R_ij.dtype)
        xarg = z[None, :] * r_safe[:, None] / CUTOFF
        Rnl = _sph_bessel(l, xarg) * mask[:, None]  # [E, n_l]
        edge = Rnl[:, None, :, None] * Ys[l][:, :, None, None] * w[:, None, None, :]  # [E, 2l+1, n_l, S]
        outs.append(jax.ops.segment_sum(edge, i_idx, num_segments=N_NODES))
    return outs

def setup_inputs(seed: int = 0):
    key = jax.random.key(seed)
    k1, k2, k3, k4, k5, k6 = jax.random.split(key, 6)
    R_ij = jax.random.normal(k1, (N_EDGES, 3), dtype=jnp.float32)
    i = jax.random.randint(k2, (N_EDGES,), 0, N_NODES)
    j = jax.random.randint(k3, (N_EDGES,), 0, N_NODES)
    species = jax.random.randint(k4, (N_NODES,), 0, N_SPECIES)
    structures = jax.random.randint(k5, (N_NODES,), 0, 100)
    centers = jnp.arange(N_NODES)
    W = jax.random.normal(k6, (N_SPECIES, N_SPECIES), dtype=jnp.float32) * 0.1
    return {"R_ij": R_ij, "i": i, "j": j, "species": species, "structures": structures, "centers": centers, "W": W}

def reference(R_ij, i, j, species, structures, centers, W):
    outs = _expansion(R_ij, W, i, j, species)
    # TensorMap block extraction: loop over (l, species_center, species_neighbor),
    # mask rows by center species, take the neighbor pseudo-species channel.
    perm = jnp.argsort(species, stable=True)
    species_sorted = species[perm]
    counts = jax.ops.segment_sum(jnp.ones_like(species), species, num_segments=N_SPECIES)
    starts = jnp.concatenate([jnp.zeros((1,), counts.dtype), jnp.cumsum(counts)[:-1]])
    ranks = jnp.arange(N_NODES) - starts[species_sorted]
    blocks = []
    for l in range(MAX_L + 1):
        M = (2 * l + 1) * len(BESSEL_ZEROS[l])
        D = jnp.moveaxis(outs[l][perm], 3, 1).reshape(N_NODES, N_SPECIES, M)
        base = starts[species_sorted] * (N_SPECIES * M) + ranks * M
        c_k = counts[species_sorted]
        idx = (base[:, None, None]
               + jnp.arange(N_SPECIES)[None, :, None] * c_k[:, None, None] * M
               + jnp.arange(M)[None, None, :])
        out_l = jnp.zeros((N_NODES * N_SPECIES * M,), dtype=D.dtype).at[idx.reshape(-1)].set(D.reshape(-1))
        blocks.append(out_l)
    return jnp.concatenate(blocks)

if __name__ == "__main__":
    import jax
    _d = setup_inputs()
    print(jax.jit(kernel)(*tuple(_d.values())))

</pallas_src>

<mosaic_0001>
module attributes {stable_mosaic.version = 14 : i64} {
  func.func @_accum_kernel(%arg0: i32, %arg1: memref<250xi32, #tpu.memory_space<smem>>, %arg2: memref<640x1xi32, #tpu.memory_space<vmem>>, %arg3: memref<640x3xf32, #tpu.memory_space<vmem>>, %arg4: memref<41984x64xf32, #tpu.memory_space<vmem>>) attributes {dimension_semantics = [#tpu.dimension_semantics<arbitrary>], iteration_bounds = array<i64: 250>, scalar_prefetch = 1 : i64, scratch_operands = 0 : i64, tpu.core_type = #tpu.core_type<tc>, window_params = [{transform_indices = @transform_0, window_bounds = array<i64: 640, 1>}, {transform_indices = @transform_1, window_bounds = array<i64: 640, 3>}, {pipeline_mode = #tpu.pipeline_mode<synchronous>, transform_indices = @transform_2, window_bounds = array<i64: 41984, 64>}]} {
    %eq3A = arith.constant 0 : i32
    %eq3A_0 = arith.cmpi eq, %arg0, %eq3A : i32
    %convert_element_type3A = arith.extui %eq3A_0 : i1 to i32
    %cond3A = arith.constant 0 : i32
    %cond3A_1 = arith.cmpi ne, %convert_element_type3A, %cond3A : i32
    scf.if %cond3A_1 {
      %broadcast_in_dim3A_476 = arith.constant 0.000000e+00 : f32
      %broadcast_in_dim3A_477 = vector.broadcast %broadcast_in_dim3A_476 : f32 to vector<41984x64xf32>
      %swap3A_478 = arith.constant 0 : index
      %swap3A_479 = arith.constant 0 : index
      %swap3A_480 = vector.load %arg4[%swap3A_478, %swap3A_479] : memref<41984x64xf32, #tpu.memory_space<vmem>>, vector<41984x64xf32>
      tpu.vector_store %arg4[%swap3A_478, %swap3A_479], %broadcast_in_dim3A_477 {strides = array<i32>} : memref<41984x64xf32, #tpu.memory_space<vmem>>, vector<41984x64xf32>,
    } else {
    }
    %get3A = arith.constant 0 : index
    %get3A_2 = arith.constant 0 : index
    %get3A_3 = vector.load %arg3[%get3A, %get3A_2] : memref<640x3xf32, #tpu.memory_space<vmem>>, vector<640x3xf32>
    %slice3A = vector.extract_strided_slice %get3A_3 {offsets = [0, 0], sizes = [640, 1], strides = [1, 1]} : vector<640x3xf32> to vector<640x1xf32>
    %slice3A_4 = vector.extract_strided_slice %get3A_3 {offsets = [0, 1], sizes = [640, 1], strides = [1, 1]} : vector<640x3xf32> to vector<640x1xf32>
    %slice3A_5 = vector.extract_strided_slice %get3A_3 {offsets = [0, 2], sizes = [640, 1], strides = [1, 1]} : vector<640x3xf32> to vector<640x1xf32>
    %mul3A = arith.mulf %slice3A, %slice3A : vector<640x1xf32>
    %mul3A_6 = arith.mulf %slice3A_4, %slice3A_4 : vector<640x1xf32>
    %add3A = arith.addf %mul3A, %mul3A_6 : vector<640x1xf32>
    %mul3A_7 = arith.mulf %slice3A_5, %slice3A_5 : vector<640x1xf32>
    %add3A_8 = arith.addf %add3A, %mul3A_7 : vector<640x1xf32>
    %sqrt3A = math.sqrt %add3A_8 : vector<640x1xf32>
    %max3A = arith.constant 9.99999993E-9 : f32
    %max3A_9 = vector.broadcast %max3A : f32 to vector<640x1xf32>
    %max3A_10 = arith.maximumf %sqrt3A, %max3A_9 : vector<640x1xf32>
    %div3A = arith.constant 1.000000e+00 : f32
    %div3A_11 = vector.broadcast %div3A : f32 to vector<640x1xf32>
    %div3A_12 = arith.divf %div3A_11, %max3A_10 : vector<640x1xf32>
    %mul3A_13 = arith.mulf %slice3A, %div3A_12 : vector<640x1xf32>
    %mul3A_14 = arith.mulf %slice3A_4, %div3A_12 : vector<640x1xf32>
    %mul3A_15 = arith.mulf %slice3A_5, %div3A_12 : vector<640x1xf32>
    %lt3A = arith.constant 5.000000e+00 : f32
    %lt3A_16 = vector.broadcast %lt3A : f32 to vector<640x1xf32>
    %lt3A_17 = arith.cmpf olt, %sqrt3A, %lt3A_16 : vector<640x1xf32>
    %convert_element_type3A_18 = arith.extui %lt3A_17 : vector<640x1xi1> to vector<640x1xi32>
    %convert_element_type3A_19 = arith.sitofp %convert_element_type3A_18 : vector<640x1xi32> to vector<640x1xf32>
    %broadcast_in_dim3A = arith.constant 0.282094806 : f32
    %broadcast_in_dim3A_20 = vector.broadcast %broadcast_in_dim3A : f32 to vector<640x1xf32>
    %mul3A_21 = arith.constant 0.488602519 : f32
    %mul3A_22 = vector.broadcast %mul3A_21 : f32 to vector<640x1xf32>
    %mul3A_23 = arith.mulf %mul3A_22, %mul3A_14 : vector<640x1xf32>
    %mul3A_24 = arith.constant 0.488602519 : f32
    %mul3A_25 = vector.broadcast %mul3A_24 : f32 to vector<640x1xf32>
    %mul3A_26 = arith.mulf %mul3A_25, %mul3A_15 : vector<640x1xf32>
    %mul3A_27 = arith.constant 0.488602519 : f32
    %mul3A_28 = vector.broadcast %mul3A_27 : f32 to vector<640x1xf32>
    %mul3A_29 = arith.mulf %mul3A_28, %mul3A_13 : vector<640x1xf32>
    %mul3A_30 = arith.constant 1.09254849 : f32
    %mul3A_31 = vector.broadcast %mul3A_30 : f32 to vector<640x1xf32>
    %mul3A_32 = arith.mulf %mul3A_31, %mul3A_13 : vector<640x1xf32>
    %mul3A_33 = arith.mulf %mul3A_32, %mul3A_14 : vector<640x1xf32>
    %mul3A_34 = arith.constant 1.09254849 : f32
    %mul3A_35 = vector.broadcast %mul3A_34 : f32 to vector<640x1xf32>
    %mul3A_36 = arith.mulf %mul3A_35, %mul3A_14 : vector<640x1xf32>
    %mul3A_37 = arith.mulf %mul3A_36, %mul3A_15 : vector<640x1xf32>
    %mul3A_38 = arith.constant 3.000000e+00 : f32
    %mul3A_39 = vector.broadcast %mul3A_38 : f32 to vector<640x1xf32>
    %mul3A_40 = arith.mulf %mul3A_39, %mul3A_15 : vector<640x1xf32>
    %mul3A_41 = arith.mulf %mul3A_40, %mul3A_15 : vector<640x1xf32>
    %sub3A = arith.constant 1.000000e+00 : f32
    %sub3A_42 = vector.broadcast %sub3A : f32 to vector<640x1xf32>
    %sub3A_43 = arith.subf %mul3A_41, %sub3A_42 : vector<640x1xf32>
    %mul3A_44 = arith.constant 0.31539157 : f32
    %mul3A_45 = vector.broadcast %mul3A_44 : f32 to vector<640x1xf32>
    %mul3A_46 = arith.mulf %mul3A_45, %sub3A_43 : vector<640x1xf32>
    %mul3A_47 = arith.constant 1.09254849 : f32
    %mul3A_48 = vector.broadcast %mul3A_47 : f32 to vector<640x1xf32>
    %mul3A_49 = arith.mulf %mul3A_48, %mul3A_13 : vector<640x1xf32>
    %mul3A_50 = arith.mulf %mul3A_49, %mul3A_15 : vector<640x1xf32>
    %mul3A_51 = arith.mulf %mul3A_13, %mul3A_13 : vector<640x1xf32>
    %mul3A_52 = arith.mulf %mul3A_14, %mul3A_14 : vector<640x1xf32>
    %sub3A_53 = arith.subf %mul3A_51, %mul3A_52 : vector<640x1xf32>
    %mul3A_54 = arith.constant 0.546274245 : f32
    %mul3A_55 = vector.broadcast %mul3A_54 : f32 to vector<640x1xf32>
    %mul3A_56 = arith.mulf %mul3A_55, %sub3A_53 : vector<640x1xf32>
    %mul3A_57 = arith.constant 3.14159274 : f32
    %mul3A_58 = vector.broadcast %mul3A_57 : f32 to vector<640x1xf32>
    %mul3A_59 = arith.mulf %mul3A_58, %max3A_10 : vector<640x1xf32>
    %div3A_60 = arith.constant 5.000000e+00 : f32
    %div3A_61 = vector.broadcast %div3A_60 : f32 to vector<640x1xf32>
    %div3A_62 = arith.divf %mul3A_59, %div3A_61 : vector<640x1xf32>
    %max3A_63 = arith.constant 9.99999993E-9 : f32
    %max3A_64 = vector.broadcast %max3A_63 : f32 to vector<640x1xf32>
    %max3A_65 = arith.maximumf %div3A_62, %max3A_64 : vector<640x1xf32>
    %sin3A = math.sin %max3A_65 : vector<640x1xf32>
    %div3A_66 = arith.divf %sin3A, %max3A_65 : vector<640x1xf32>
    %mul3A_67 = arith.constant 6.28318548 : f32
    %mul3A_68 = vector.broadcast %mul3A_67 : f32 to vector<640x1xf32>
    %mul3A_69 = arith.mulf %mul3A_68, %max3A_10 : vector<640x1xf32>
    %div3A_70 = arith.constant 5.000000e+00 : f32
    %div3A_71 = vector.broadcast %div3A_70 : f32 to vector<640x1xf32>
    %div3A_72 = arith.divf %mul3A_69, %div3A_71 : vector<640x1xf32>
    %max3A_73 = arith.constant 9.99999993E-9 : f32
    %max3A_74 = vector.broadcast %max3A_73 : f32 to vector<640x1xf32>
    %max3A_75 = arith.maximumf %div3A_72, %max3A_74 : vector<640x1xf32>
    %sin3A_76 = math.sin %max3A_75 : vector<640x1xf32>
    %div3A_77 = arith.divf %sin3A_76, %max3A_75 : vector<640x1xf32>
    %mul3A_78 = arith.constant 9.42477798 : f32
    %mul3A_79 = vector.broadcast %mul3A_78 : f32 to vector<640x1xf32>
    %mul3A_80 = arith.mulf %mul3A_79, %max3A_10 : vector<640x1xf32>
    %div3A_81 = arith.constant 5.000000e+00 : f32
    %div3A_82 = vector.broadcast %div3A_81 : f32 to vector<640x1xf32>
    %div3A_83 = arith.divf %mul3A_80, %div3A_82 : vector<640x1xf32>
    %max3A_84 = arith.constant 9.99999993E-9 : f32
    %max3A_85 = vector.broadcast %max3A_84 : f32 to vector<640x1xf32>
    %max3A_86 = arith.maximumf %div3A_83, %max3A_85 : vector<640x1xf32>
    %sin3A_87 = math.sin %max3A_86 : vector<640x1xf32>
    %div3A_88 = arith.divf %sin3A_87, %max3A_86 : vector<640x1xf32>
    %mul3A_89 = arith.constant 12.566371 : f32
    %mul3A_90 = vector.broadcast %mul3A_89 : f32 to vector<640x1xf32>
    %mul3A_91 = arith.mulf %mul3A_90, %max3A_10 : vector<640x1xf32>
    %div3A_92 = arith.constant 5.000000e+00 : f32
    %div3A_93 = vector.broadcast %div3A_92 : f32 to vector<640x1xf32>
    %div3A_94 = arith.divf %mul3A_91, %div3A_93 : vector<640x1xf32>
    %max3A_95 = arith.constant 9.99999993E-9 : f32
    %max3A_96 = vector.broadcast %max3A_95 : f32 to vector<640x1xf32>
    %max3A_97 = arith.maximumf %div3A_94, %max3A_96 : vector<640x1xf32>
    %sin3A_98 = math.sin %max3A_97 : vector<640x1xf32>
    %div3A_99 = arith.divf %sin3A_98, %max3A_97 : vector<640x1xf32>
    %mul3A_100 = arith.constant 15.707963 : f32
    %mul3A_101 = vector.broadcast %mul3A_100 : f32 to vector<640x1xf32>
    %mul3A_102 = arith.mulf %mul3A_101, %max3A_10 : vector<640x1xf32>
    %div3A_103 = arith.constant 5.000000e+00 : f32
    %div3A_104 = vector.broadcast %div3A_103 : f32 to vector<640x1xf32>
    %div3A_105 = arith.divf %mul3A_102, %div3A_104 : vector<640x1xf32>
    %max3A_106 = arith.constant 9.99999993E-9 : f32
    %max3A_107 = vector.broadcast %max3A_106 : f32 to vector<640x1xf32>
    %max3A_108 = arith.maximumf %div3A_105, %max3A_107 : vector<640x1xf32>
    %sin3A_109 = math.sin %max3A_108 : vector<640x1xf32>
    %div3A_110 = arith.divf %sin3A_109, %max3A_108 : vector<640x1xf32>
    %mul3A_111 = arith.constant 18.849556 : f32
    %mul3A_112 = vector.broadcast %mul3A_111 : f32 to vector<640x1xf32>
    %mul3A_113 = arith.mulf %mul3A_112, %max3A_10 : vector<640x1xf32>
    %div3A_114 = arith.constant 5.000000e+00 : f32
    %div3A_115 = vector.broadcast %div3A_114 : f32 to vector<640x1xf32>
    %div3A_116 = arith.divf %mul3A_113, %div3A_115 : vector<640x1xf32>
    %max3A_117 = arith.constant 9.99999993E-9 : f32
    %max3A_118 = vector.broadcast %max3A_117 : f32 to vector<640x1xf32>
    %max3A_119 = arith.maximumf %div3A_116, %max3A_118 : vector<640x1xf32>
    %sin3A_120 = math.sin %max3A_119 : vector<640x1xf32>
    %div3A_121 = arith.divf %sin3A_120, %max3A_119 : vector<640x1xf32>
    %mul3A_122 = arith.constant 21.991148 : f32
    %mul3A_123 = vector.broadcast %mul3A_122 : f32 to vector<640x1xf32>
    %mul3A_124 = arith.mulf %mul3A_123, %max3A_10 : vector<640x1xf32>
    %div3A_125 = arith.constant 5.000000e+00 : f32
    %div3A_126 = vector.broadcast %div3A_125 : f32 to vector<640x1xf32>
    %div3A_127 = arith.divf %mul3A_124, %div3A_126 : vector<640x1xf32>
    %max3A_128 = arith.constant 9.99999993E-9 : f32
    %max3A_129 = vector.broadcast %max3A_128 : f32 to vector<640x1xf32>
    %max3A_130 = arith.maximumf %div3A_127, %max3A_129 : vector<640x1xf32>
    %sin3A_131 = math.sin %max3A_130 : vector<640x1xf32>
    %div3A_132 = arith.divf %sin3A_131, %max3A_130 : vector<640x1xf32>
    %mul3A_133 = arith.constant 25.1327419 : f32
    %mul3A_134 = vector.broadcast %mul3A_133 : f32 to vector<640x1xf32>
    %mul3A_135 = arith.mulf %mul3A_134, %max3A_10 : vector<640x1xf32>
    %div3A_136 = arith.constant 5.000000e+00 : f32
    %div3A_137 = vector.broadcast %div3A_136 : f32 to vector<640x1xf32>
    %div3A_138 = arith.divf %mul3A_135, %div3A_137 : vector<640x1xf32>
    %max3A_139 = arith.constant 9.99999993E-9 : f32
    %max3A_140 = vector.broadcast %max3A_139 : f32 to vector<640x1xf32>
    %max3A_141 = arith.maximumf %div3A_138, %max3A_140 : vector<640x1xf32>
    %sin3A_142 = math.sin %max3A_141 : vector<640x1xf32>
    %div3A_143 = arith.divf %sin3A_142, %max3A_141 : vector<640x1xf32>
    %concatenate3A = tpu.concatenate %div3A_66, %div3A_77, %div3A_88, %div3A_99, %div3A_110, %div3A_121, %div3A_132, %div3A_143 in 1 : vector<640x1xf32>, vector<640x1xf32>, vector<640x1xf32>, vector<640x1xf32>, vector<640x1xf32>, vector<640x1xf32>, vector<640x1xf32>, vector<640x1xf32> -> vector<640x8xf32>
    %mul3A_144 = vector.broadcast %convert_element_type3A_19 : vector<640x1xf32> to vector<640x8xf32>
    %mul3A_145 = arith.mulf %concatenate3A, %mul3A_144 : vector<640x8xf32>
    %mul3A_146 = vector.broadcast %broadcast_in_dim3A_20 : vector<640x1xf32> to vector<640x8xf32>
    %mul3A_147 = arith.mulf %mul3A_145, %mul3A_146 : vector<640x8xf32>
    %mul3A_148 = arith.constant 4.49340963 : f32
    %mul3A_149 = vector.broadcast %mul3A_148 : f32 to vector<640x1xf32>
    %mul3A_150 = arith.mulf %mul3A_149, %max3A_10 : vector<640x1xf32>
    %div3A_151 = arith.constant 5.000000e+00 : f32
    %div3A_152 = vector.broadcast %div3A_151 : f32 to vector<640x1xf32>
    %div3A_153 = arith.divf %mul3A_150, %div3A_152 : vector<640x1xf32>
    %max3A_154 = arith.constant 9.99999993E-9 : f32
    %max3A_155 = vector.broadcast %max3A_154 : f32 to vector<640x1xf32>
    %max3A_156 = arith.maximumf %div3A_153, %max3A_155 : vector<640x1xf32>
    %sin3A_157 = math.sin %max3A_156 : vector<640x1xf32>
    %integer_pow3A = arith.mulf %max3A_156, %max3A_156 : vector<640x1xf32>
    %div3A_158 = arith.divf %sin3A_157, %integer_pow3A : vector<640x1xf32>
    %cos3A = math.cos %max3A_156 : vector<640x1xf32>
    %div3A_159 = arith.divf %cos3A, %max3A_156 : vector<640x1xf32>
    %sub3A_160 = arith.subf %div3A_158, %div3A_159 : vector<640x1xf32>
    %mul3A_161 = arith.constant 7.72525167 : f32
    %mul3A_162 = vector.broadcast %mul3A_161 : f32 to vector<640x1xf32>
    %mul3A_163 = arith.mulf %mul3A_162, %max3A_10 : vector<640x1xf32>
    %div3A_164 = arith.constant 5.000000e+00 : f32
    %div3A_165 = vector.broadcast %div3A_164 : f32 to vector<640x1xf32>
    %div3A_166 = arith.divf %mul3A_163, %div3A_165 : vector<640x1xf32>
    %max3A_167 = arith.constant 9.99999993E-9 : f32
    %max3A_168 = vector.broadcast %max3A_167 : f32 to vector<640x1xf32>
    %max3A_169 = arith.maximumf %div3A_166, %max3A_168 : vector<640x1xf32>
    %sin3A_170 = math.sin %max3A_169 : vector<640x1xf32>
    %integer_pow3A_171 = arith.mulf %max3A_169, %max3A_169 : vector<640x1xf32>
    %div3A_172 = arith.divf %sin3A_170, %integer_pow3A_171 : vector<640x1xf32>
    %cos3A_173 = math.cos %max3A_169 : vector<640x1xf32>
    %div3A_174 = arith.divf %cos3A_173, %max3A_169 : vector<640x1xf32>
    %sub3A_175 = arith.subf %div3A_172, %div3A_174 : vector<640x1xf32>
    %mul3A_176 = arith.constant 10.9041214 : f32
    %mul3A_177 = vector.broadcast %mul3A_176 : f32 to vector<640x1xf32>
    %mul3A_178 = arith.mulf %mul3A_177, %max3A_10 : vector<640x1xf32>
    %div3A_179 = arith.constant 5.000000e+00 : f32
    %div3A_180 = vector.broadcast %div3A_179 : f32 to vector<640x1xf32>
    %div3A_181 = arith.divf %mul3A_178, %div3A_180 : vector<640x1xf32>
    %max3A_182 = arith.constant 9.99999993E-9 : f32
    %max3A_183 = vector.broadcast %max3A_182 : f32 to vector<640x1xf32>
    %max3A_184 = arith.maximumf %div3A_181, %max3A_183 : vector<640x1xf32>
    %sin3A_185 = math.sin %max3A_184 : vector<640x1xf32>
    %integer_pow3A_186 = arith.mulf %max3A_184, %max3A_184 : vector<640x1xf32>
    %div3A_187 = arith.divf %sin3A_185, %integer_pow3A_186 : vector<640x1xf32>
    %cos3A_188 = math.cos %max3A_184 : vector<640x1xf32>
    %div3A_189 = arith.divf %cos3A_188, %max3A_184 : vector<640x1xf32>
    %sub3A_190 = arith.subf %div3A_187, %div3A_189 : vector<640x1xf32>
    %mul3A_191 = arith.constant 14.0661936 : f32
    %mul3A_192 = vector.broadcast %mul3A_191 : f32 to vector<640x1xf32>
    %mul3A_193 = arith.mulf %mul3A_192, %max3A_10 : vector<640x1xf32>
    %div3A_194 = arith.constant 5.000000e+00 : f32
    %div3A_195 = vector.broadcast %div3A_194 : f32 to vector<640x1xf32>
    %div3A_196 = arith.divf %mul3A_193, %div3A_195 : vector<640x1xf32>
    %max3A_197 = arith.constant 9.99999993E-9 : f32
    %max3A_198 = vector.broadcast %max3A_197 : f32 to vector<640x1xf32>
    %max3A_199 = arith.maximumf %div3A_196, %max3A_198 : vector<640x1xf32>
    %sin3A_200 = math.sin %max3A_199 : vector<640x1xf32>
    %integer_pow3A_201 = arith.mulf %max3A_199, %max3A_199 : vector<640x1xf32>
    %div3A_202 = arith.divf %sin3A_200, %integer_pow3A_201 : vector<640x1xf32>
    %cos3A_203 = math.cos %max3A_199 : vector<640x1xf32>
    %div3A_204 = arith.divf %cos3A_203, %max3A_199 : vector<640x1xf32>
    %sub3A_205 = arith.subf %div3A_202, %div3A_204 : vector<640x1xf32>
    %mul3A_206 = arith.constant 17.2207546 : f32
    %mul3A_207 = vector.broadcast %mul3A_206 : f32 to vector<640x1xf32>
    %mul3A_208 = arith.mulf %mul3A_207, %max3A_10 : vector<640x1xf32>
    %div3A_209 = arith.constant 5.000000e+00 : f32
    %div3A_210 = vector.broadcast %div3A_209 : f32 to vector<640x1xf32>
    %div3A_211 = arith.divf %mul3A_208, %div3A_210 : vector<640x1xf32>
    %max3A_212 = arith.constant 9.99999993E-9 : f32
    %max3A_213 = vector.broadcast %max3A_212 : f32 to vector<640x1xf32>
    %max3A_214 = arith.maximumf %div3A_211, %max3A_213 : vector<640x1xf32>
    %sin3A_215 = math.sin %max3A_214 : vector<640x1xf32>
    %integer_pow3A_216 = arith.mulf %max3A_214, %max3A_214 : vector<640x1xf32>
    %div3A_217 = arith.divf %sin3A_215, %integer_pow3A_216 : vector<640x1xf32>
    %cos3A_218 = math.cos %max3A_214 : vector<640x1xf32>
    %div3A_219 = arith.divf %cos3A_218, %max3A_214 : vector<640x1xf32>
    %sub3A_220 = arith.subf %div3A_217, %div3A_219 : vector<640x1xf32>
    %mul3A_221 = arith.constant 20.3713036 : f32
    %mul3A_222 = vector.broadcast %mul3A_221 : f32 to vector<640x1xf32>
    %mul3A_223 = arith.mulf %mul3A_222, %max3A_10 : vector<640x1xf32>
    %div3A_224 = arith.constant 5.000000e+00 : f32
    %div3A_225 = vector.broadcast %div3A_224 : f32 to vector<640x1xf32>
    %div3A_226 = arith.divf %mul3A_223, %div3A_225 : vector<640x1xf32>
    %max3A_227 = arith.constant 9.99999993E-9 : f32
    %max3A_228 = vector.broadcast %max3A_227 : f32 to vector<640x1xf32>
    %max3A_229 = arith.maximumf %div3A_226, %max3A_228 : vector<640x1xf32>
    %sin3A_230 = math.sin %max3A_229 : vector<640x1xf32>
    %integer_pow3A_231 = arith.mulf %max3A_229, %max3A_229 : vector<640x1xf32>
    %div3A_232 = arith.divf %sin3A_230, %integer_pow3A_231 : vector<640x1xf32>
    %cos3A_233 = math.cos %max3A_229 : vector<640x1xf32>
    %div3A_234 = arith.divf %cos3A_233, %max3A_229 : vector<640x1xf32>
    %sub3A_235 = arith.subf %div3A_232, %div3A_234 : vector<640x1xf32>
    %mul3A_236 = arith.constant 23.519453 : f32
    %mul3A_237 = vector.broadcast %mul3A_236 : f32 to vector<640x1xf32>
    %mul3A_238 = arith.mulf %mul3A_237, %max3A_10 : vector<640x1xf32>
    %div3A_239 = arith.constant 5.000000e+00 : f32
    %div3A_240 = vector.broadcast %div3A_239 : f32 to vector<640x1xf32>
    %div3A_241 = arith.divf %mul3A_238, %div3A_240 : vector<640x1xf32>
    %max3A_242 = arith.constant 9.99999993E-9 : f32
    %max3A_243 = vector.broadcast %max3A_242 : f32 to vector<640x1xf32>
    %max3A_244 = arith.maximumf %div3A_241, %max3A_243 : vector<640x1xf32>
    %sin3A_245 = math.sin %max3A_244 : vector<640x1xf32>
    %integer_pow3A_246 = arith.mulf %max3A_244, %max3A_244 : vector<640x1xf32>
    %div3A_247 = arith.divf %sin3A_245, %integer_pow3A_246 : vector<640x1xf32>
    %cos3A_248 = math.cos %max3A_244 : vector<640x1xf32>
    %div3A_249 = arith.divf %cos3A_248, %max3A_244 : vector<640x1xf32>
    %sub3A_250 = arith.subf %div3A_247, %div3A_249 : vector<640x1xf32>
    %concatenate3A_251 = tpu.concatenate %sub3A_160, %sub3A_175, %sub3A_190, %sub3A_205, %sub3A_220, %sub3A_235, %sub3A_250 in 1 : vector<640x1xf32>, vector<640x1xf32>, vector<640x1xf32>, vector<640x1xf32>, vector<640x1xf32>, vector<640x1xf32>, vector<640x1xf32> -> vector<640x7xf32>
    %mul3A_252 = vector.broadcast %convert_element_type3A_19 : vector<640x1xf32> to vector<640x7xf32>
    %mul3A_253 = arith.mulf %concatenate3A_251, %mul3A_252 : vector<640x7xf32>
    %mul3A_254 = vector.broadcast %mul3A_23 : vector<640x1xf32> to vector<640x7xf32>
    %mul3A_255 = arith.mulf %mul3A_253, %mul3A_254 : vector<640x7xf32>
    %mul3A_256 = vector.broadcast %mul3A_26 : vector<640x1xf32> to vector<640x7xf32>
    %mul3A_257 = arith.mulf %mul3A_253, %mul3A_256 : vector<640x7xf32>
    %mul3A_258 = vector.broadcast %mul3A_29 : vector<640x1xf32> to vector<640x7xf32>
    %mul3A_259 = arith.mulf %mul3A_253, %mul3A_258 : vector<640x7xf32>
    %mul3A_260 = arith.constant 5.76345921 : f32
    %mul3A_261 = vector.broadcast %mul3A_260 : f32 to vector<640x1xf32>
    %mul3A_262 = arith.mulf %mul3A_261, %max3A_10 : vector<640x1xf32>
    %div3A_263 = arith.constant 5.000000e+00 : f32
    %div3A_264 = vector.broadcast %div3A_263 : f32 to vector<640x1xf32>
    %div3A_265 = arith.divf %mul3A_262, %div3A_264 : vector<640x1xf32>
    %max3A_266 = arith.constant 9.99999993E-9 : f32
    %max3A_267 = vector.broadcast %max3A_266 : f32 to vector<640x1xf32>
    %max3A_268 = arith.maximumf %div3A_265, %max3A_267 : vector<640x1xf32>
    %integer_pow3A_269 = arith.mulf %max3A_268, %max3A_268 : vector<640x1xf32>
    %integer_pow3A_270 = arith.mulf %max3A_268, %integer_pow3A_269 : vector<640x1xf32>
    %div3A_271 = arith.constant 3.000000e+00 : f32
    %div3A_272 = vector.broadcast %div3A_271 : f32 to vector<640x1xf32>
    %div3A_273 = arith.divf %div3A_272, %integer_pow3A_270 : vector<640x1xf32>
    %div3A_274 = arith.constant 1.000000e+00 : f32
    %div3A_275 = vector.broadcast %div3A_274 : f32 to vector<640x1xf32>
    %div3A_276 = arith.divf %div3A_275, %max3A_268 : vector<640x1xf32>
    %sub3A_277 = arith.subf %div3A_273, %div3A_276 : vector<640x1xf32>
    %sin3A_278 = math.sin %max3A_268 : vector<640x1xf32>
    %mul3A_279 = arith.mulf %sub3A_277, %sin3A_278 : vector<640x1xf32>
    %cos3A_280 = math.cos %max3A_268 : vector<640x1xf32>
    %mul3A_281 = arith.constant 3.000000e+00 : f32
    %mul3A_282 = vector.broadcast %mul3A_281 : f32 to vector<640x1xf32>
    %mul3A_283 = arith.mulf %mul3A_282, %cos3A_280 : vector<640x1xf32>
    %integer_pow3A_284 = arith.mulf %max3A_268, %max3A_268 : vector<640x1xf32>
    %div3A_285 = arith.divf %mul3A_283, %integer_pow3A_284 : vector<640x1xf32>
    %sub3A_286 = arith.subf %mul3A_279, %div3A_285 : vector<640x1xf32>
    %mul3A_287 = arith.constant 9.09501171 : f32
    %mul3A_288 = vector.broadcast %mul3A_287 : f32 to vector<640x1xf32>
    %mul3A_289 = arith.mulf %mul3A_288, %max3A_10 : vector<640x1xf32>
    %div3A_290 = arith.constant 5.000000e+00 : f32
    %div3A_291 = vector.broadcast %div3A_290 : f32 to vector<640x1xf32>
    %div3A_292 = arith.divf %mul3A_289, %div3A_291 : vector<640x1xf32>
    %max3A_293 = arith.constant 9.99999993E-9 : f32
    %max3A_294 = vector.broadcast %max3A_293 : f32 to vector<640x1xf32>
    %max3A_295 = arith.maximumf %div3A_292, %max3A_294 : vector<640x1xf32>
    %integer_pow3A_296 = arith.mulf %max3A_295, %max3A_295 : vector<640x1xf32>
    %integer_pow3A_297 = arith.mulf %max3A_295, %integer_pow3A_296 : vector<640x1xf32>
    %div3A_298 = arith.constant 3.000000e+00 : f32
    %div3A_299 = vector.broadcast %div3A_298 : f32 to vector<640x1xf32>
    %div3A_300 = arith.divf %div3A_299, %integer_pow3A_297 : vector<640x1xf32>
    %div3A_301 = arith.constant 1.000000e+00 : f32
    %div3A_302 = vector.broadcast %div3A_301 : f32 to vector<640x1xf32>
    %div3A_303 = arith.divf %div3A_302, %max3A_295 : vector<640x1xf32>
    %sub3A_304 = arith.subf %div3A_300, %div3A_303 : vector<640x1xf32>
    %sin3A_305 = math.sin %max3A_295 : vector<640x1xf32>
    %mul3A_306 = arith.mulf %sub3A_304, %sin3A_305 : vector<640x1xf32>
    %cos3A_307 = math.cos %max3A_295 : vector<640x1xf32>
    %mul3A_308 = arith.constant 3.000000e+00 : f32
    %mul3A_309 = vector.broadcast %mul3A_308 : f32 to vector<640x1xf32>
    %mul3A_310 = arith.mulf %mul3A_309, %cos3A_307 : vector<640x1xf32>
    %integer_pow3A_311 = arith.mulf %max3A_295, %max3A_295 : vector<640x1xf32>
    %div3A_312 = arith.divf %mul3A_310, %integer_pow3A_311 : vector<640x1xf32>
    %sub3A_313 = arith.subf %mul3A_306, %div3A_312 : vector<640x1xf32>
    %mul3A_314 = arith.constant 12.3229408 : f32
    %mul3A_315 = vector.broadcast %mul3A_314 : f32 to vector<640x1xf32>
    %mul3A_316 = arith.mulf %mul3A_315, %max3A_10 : vector<640x1xf32>
    %div3A_317 = arith.constant 5.000000e+00 : f32
    %div3A_318 = vector.broadcast %div3A_317 : f32 to vector<640x1xf32>
    %div3A_319 = arith.divf %mul3A_316, %div3A_318 : vector<640x1xf32>
    %max3A_320 = arith.constant 9.99999993E-9 : f32
    %max3A_321 = vector.broadcast %max3A_320 : f32 to vector<640x1xf32>
    %max3A_322 = arith.maximumf %div3A_319, %max3A_321 : vector<640x1xf32>
    %integer_pow3A_323 = arith.mulf %max3A_322, %max3A_322 : vector<640x1xf32>
    %integer_pow3A_324 = arith.mulf %max3A_322, %integer_pow3A_323 : vector<640x1xf32>
    %div3A_325 = arith.constant 3.000000e+00 : f32
    %div3A_326 = vector.broadcast %div3A_325 : f32 to vector<640x1xf32>
    %div3A_327 = arith.divf %div3A_326, %integer_pow3A_324 : vector<640x1xf32>
    %div3A_328 = arith.constant 1.000000e+00 : f32
    %div3A_329 = vector.broadcast %div3A_328 : f32 to vector<640x1xf32>
    %div3A_330 = arith.divf %div3A_329, %max3A_322 : vector<640x1xf32>
    %sub3A_331 = arith.subf %div3A_327, %div3A_330 : vector<640x1xf32>
    %sin3A_332 = math.sin %max3A_322 : vector<640x1xf32>
    %mul3A_333 = arith.mulf %sub3A_331, %sin3A_332 : vector<640x1xf32>
    %cos3A_334 = math.cos %max3A_322 : vector<640x1xf32>
    %mul3A_335 = arith.constant 3.000000e+00 : f32
    %mul3A_336 = vector.broadcast %mul3A_335 : f32 to vector<640x1xf32>
    %mul3A_337 = arith.mulf %mul3A_336, %cos3A_334 : vector<640x1xf32>
    %integer_pow3A_338 = arith.mulf %max3A_322, %max3A_322 : vector<640x1xf32>
    %div3A_339 = arith.divf %mul3A_337, %integer_pow3A_338 : vector<640x1xf32>
    %sub3A_340 = arith.subf %mul3A_333, %div3A_339 : vector<640x1xf32>
    %mul3A_341 = arith.constant 15.5146027 : f32
    %mul3A_342 = vector.broadcast %mul3A_341 : f32 to vector<640x1xf32>
    %mul3A_343 = arith.mulf %mul3A_342, %max3A_10 : vector<640x1xf32>
    %div3A_344 = arith.constant 5.000000e+00 : f32
    %div3A_345 = vector.broadcast %div3A_344 : f32 to vector<640x1xf32>
    %div3A_346 = arith.divf %mul3A_343, %div3A_345 : vector<640x1xf32>
    %max3A_347 = arith.constant 9.99999993E-9 : f32
    %max3A_348 = vector.broadcast %max3A_347 : f32 to vector<640x1xf32>
    %max3A_349 = arith.maximumf %div3A_346, %max3A_348 : vector<640x1xf32>
    %integer_pow3A_350 = arith.mulf %max3A_349, %max3A_349 : vector<640x1xf32>
    %integer_pow3A_351 = arith.mulf %max3A_349, %integer_pow3A_350 : vector<640x1xf32>
    %div3A_352 = arith.constant 3.000000e+00 : f32
    %div3A_353 = vector.broadcast %div3A_352 : f32 to vector<640x1xf32>
    %div3A_354 = arith.divf %div3A_353, %integer_pow3A_351 : vector<640x1xf32>
    %div3A_355 = arith.constant 1.000000e+00 : f32
    %div3A_356 = vector.broadcast %div3A_355 : f32 to vector<640x1xf32>
    %div3A_357 = arith.divf %div3A_356, %max3A_349 : vector<640x1xf32>
    %sub3A_358 = arith.subf %div3A_354, %div3A_357 : vector<640x1xf32>
    %sin3A_359 = math.sin %max3A_349 : vector<640x1xf32>
    %mul3A_360 = arith.mulf %sub3A_358, %sin3A_359 : vector<640x1xf32>
    %cos3A_361 = math.cos %max3A_349 : vector<640x1xf32>
    %mul3A_362 = arith.constant 3.000000e+00 : f32
    %mul3A_363 = vector.broadcast %mul3A_362 : f32 to vector<640x1xf32>
    %mul3A_364 = arith.mulf %mul3A_363, %cos3A_361 : vector<640x1xf32>
    %integer_pow3A_365 = arith.mulf %max3A_349, %max3A_349 : vector<640x1xf32>
    %div3A_366 = arith.divf %mul3A_364, %integer_pow3A_365 : vector<640x1xf32>
    %sub3A_367 = arith.subf %mul3A_360, %div3A_366 : vector<640x1xf32>
    %mul3A_368 = arith.constant 18.6890354 : f32
    %mul3A_369 = vector.broadcast %mul3A_368 : f32 to vector<640x1xf32>
    %mul3A_370 = arith.mulf %mul3A_369, %max3A_10 : vector<640x1xf32>
    %div3A_371 = arith.constant 5.000000e+00 : f32
    %div3A_372 = vector.broadcast %div3A_371 : f32 to vector<640x1xf32>
    %div3A_373 = arith.divf %mul3A_370, %div3A_372 : vector<640x1xf32>
    %max3A_374 = arith.constant 9.99999993E-9 : f32
    %max3A_375 = vector.broadcast %max3A_374 : f32 to vector<640x1xf32>
    %max3A_376 = arith.maximumf %div3A_373, %max3A_375 : vector<640x1xf32>
    %integer_pow3A_377 = arith.mulf %max3A_376, %max3A_376 : vector<640x1xf32>
    %integer_pow3A_378 = arith.mulf %max3A_376, %integer_pow3A_377 : vector<640x1xf32>
    %div3A_379 = arith.constant 3.000000e+00 : f32
    %div3A_380 = vector.broadcast %div3A_379 : f32 to vector<640x1xf32>
    %div3A_381 = arith.divf %div3A_380, %integer_pow3A_378 : vector<640x1xf32>
    %div3A_382 = arith.constant 1.000000e+00 : f32
    %div3A_383 = vector.broadcast %div3A_382 : f32 to vector<640x1xf32>
    %div3A_384 = arith.divf %div3A_383, %max3A_376 : vector<640x1xf32>
    %sub3A_385 = arith.subf %div3A_381, %div3A_384 : vector<640x1xf32>
    %sin3A_386 = math.sin %max3A_376 : vector<640x1xf32>
    %mul3A_387 = arith.mulf %sub3A_385, %sin3A_386 : vector<640x1xf32>
    %cos3A_388 = math.cos %max3A_376 : vector<640x1xf32>
    %mul3A_389 = arith.constant 3.000000e+00 : f32
    %mul3A_390 = vector.broadcast %mul3A_389 : f32 to vector<640x1xf32>
    %mul3A_391 = arith.mulf %mul3A_390, %cos3A_388 : vector<640x1xf32>
    %integer_pow3A_392 = arith.mulf %max3A_376, %max3A_376 : vector<640x1xf32>
    %div3A_393 = arith.divf %mul3A_391, %integer_pow3A_392 : vector<640x1xf32>
    %sub3A_394 = arith.subf %mul3A_387, %div3A_393 : vector<640x1xf32>
    %mul3A_395 = arith.constant 21.8538742 : f32
    %mul3A_396 = vector.broadcast %mul3A_395 : f32 to vector<640x1xf32>
    %mul3A_397 = arith.mulf %mul3A_396, %max3A_10 : vector<640x1xf32>
    %div3A_398 = arith.constant 5.000000e+00 : f32
    %div3A_399 = vector.broadcast %div3A_398 : f32 to vector<640x1xf32>
    %div3A_400 = arith.divf %mul3A_397, %div3A_399 : vector<640x1xf32>
    %max3A_401 = arith.constant 9.99999993E-9 : f32
    %max3A_402 = vector.broadcast %max3A_401 : f32 to vector<640x1xf32>
    %max3A_403 = arith.maximumf %div3A_400, %max3A_402 : vector<640x1xf32>
    %integer_pow3A_404 = arith.mulf %max3A_403, %max3A_403 : vector<640x1xf32>
    %integer_pow3A_405 = arith.mulf %max3A_403, %integer_pow3A_404 : vector<640x1xf32>
    %div3A_406 = arith.constant 3.000000e+00 : f32
    %div3A_407 = vector.broadcast %div3A_406 : f32 to vector<640x1xf32>
    %div3A_408 = arith.divf %div3A_407, %integer_pow3A_405 : vector<640x1xf32>
    %div3A_409 = arith.constant 1.000000e+00 : f32
    %div3A_410 = vector.broadcast %div3A_409 : f32 to vector<640x1xf32>
    %div3A_411 = arith.divf %div3A_410, %max3A_403 : vector<640x1xf32>
    %sub3A_412 = arith.subf %div3A_408, %div3A_411 : vector<640x1xf32>
    %sin3A_413 = math.sin %max3A_403 : vector<640x1xf32>
    %mul3A_414 = arith.mulf %sub3A_412, %sin3A_413 : vector<640x1xf32>
    %cos3A_415 = math.cos %max3A_403 : vector<640x1xf32>
    %mul3A_416 = arith.constant 3.000000e+00 : f32
    %mul3A_417 = vector.broadcast %mul3A_416 : f32 to vector<640x1xf32>
    %mul3A_418 = arith.mulf %mul3A_417, %cos3A_415 : vector<640x1xf32>
    %integer_pow3A_419 = arith.mulf %max3A_403, %max3A_403 : vector<640x1xf32>
    %div3A_420 = arith.divf %mul3A_418, %integer_pow3A_419 : vector<640x1xf32>
    %sub3A_421 = arith.subf %mul3A_414, %div3A_420 : vector<640x1xf32>
    %concatenate3A_422 = tpu.concatenate %sub3A_286, %sub3A_313, %sub3A_340, %sub3A_367, %sub3A_394, %sub3A_421 in 1 : vector<640x1xf32>, vector<640x1xf32>, vector<640x1xf32>, vector<640x1xf32>, vector<640x1xf32>, vector<640x1xf32> -> vector<640x6xf32>
    %mul3A_423 = vector.broadcast %convert_element_type3A_19 : vector<640x1xf32> to vector<640x6xf32>
    %mul3A_424 = arith.mulf %concatenate3A_422, %mul3A_423 : vector<640x6xf32>
    %mul3A_425 = vector.broadcast %mul3A_33 : vector<640x1xf32> to vector<640x6xf32>
    %mul3A_426 = arith.mulf %mul3A_424, %mul3A_425 : vector<640x6xf32>
    %mul3A_427 = vector.broadcast %mul3A_37 : vector<640x1xf32> to vector<640x6xf32>
    %mul3A_428 = arith.mulf %mul3A_424, %mul3A_427 : vector<640x6xf32>
    %mul3A_429 = vector.broadcast %mul3A_46 : vector<640x1xf32> to vector<640x6xf32>
    %mul3A_430 = arith.mulf %mul3A_424, %mul3A_429 : vector<640x6xf32>
    %mul3A_431 = vector.broadcast %mul3A_50 : vector<640x1xf32> to vector<640x6xf32>
    %mul3A_432 = arith.mulf %mul3A_424, %mul3A_431 : vector<640x6xf32>
    %mul3A_433 = vector.broadcast %mul3A_56 : vector<640x1xf32> to vector<640x6xf32>
    %mul3A_434 = arith.mulf %mul3A_424, %mul3A_433 : vector<640x6xf32>
    %broadcast_in_dim3A_435 = arith.constant 0.000000e+00 : f32
    %broadcast_in_dim3A_436 = vector.broadcast %broadcast_in_dim3A_435 : f32 to vector<640x5xf32>
    %concatenate3A_437 = tpu.concatenate %mul3A_147, %mul3A_255, %mul3A_257, %mul3A_259, %mul3A_426, %mul3A_428, %mul3A_430, %mul3A_432, %mul3A_434, %broadcast_in_dim3A_436 in 1 : vector<640x8xf32>, vector<640x7xf32>, vector<640x7xf32>, vector<640x7xf32>, vector<640x6xf32>, vector<640x6xf32>, vector<640x6xf32>, vector<640x6xf32>, vector<640x6xf32>, vector<640x5xf32> -> vector<640x64xf32>
    %get3A_438 = arith.index_cast %arg0 : i32 to index
    %get3A_439 = memref.load %arg1[%get3A_438] : memref<250xi32, #tpu.memory_space<smem>>
    %jit3A = arith.constant 8 : i32
    %div3A_440 = arith.divsi %get3A_439, %jit3A : i32
    %sign3A = arith.constant 0 : i32
    %sign3A_441 = arith.cmpi sgt, %get3A_439, %sign3A : i32
    %sign3A_442 = arith.extui %sign3A_441 : i1 to i32
    %sign3A_443 = arith.constant 0 : i32
    %sign3A_444 = arith.cmpi slt, %get3A_439, %sign3A_443 : i32
    %sign3A_445 = arith.extui %sign3A_444 : i1 to i32
    %sign3A_446 = arith.subi %sign3A_442, %sign3A_445 : i32
    %sign3A_447 = arith.constant 0 : i32
    %sign3A_448 = arith.cmpi sgt, %jit3A, %sign3A_447 : i32
    %sign3A_449 = arith.extui %sign3A_448 : i1 to i32
    %sign3A_450 = arith.constant 0 : i32
    %sign3A_451 = arith.cmpi slt, %jit3A, %sign3A_450 : i32
    %sign3A_452 = arith.extui %sign3A_451 : i1 to i32
    %sign3A_453 = arith.subi %sign3A_449, %sign3A_452 : i32
    %ne3A = arith.cmpi ne, %sign3A_446, %sign3A_453 : i32
    %rem3A = arith.remsi %get3A_439, %jit3A : i32
    %ne3A_454 = arith.constant 0 : i32
    %ne3A_455 = arith.cmpi ne, %rem3A, %ne3A_454 : i32
    %and3A = arith.andi %ne3A, %ne3A_455 : i1
    %sub3A_456 = arith.constant 1 : i32
    %sub3A_457 = arith.subi %div3A_440, %sub3A_456 : i32
    %select_n3A = arith.select %and3A, %sub3A_457, %div3A_440 : i32
    %mul3A_458 = arith.constant 8 : i32
    %mul3A_459 = arith.muli %select_n3A, %mul3A_458 : i32
    %get3A_460 = arith.constant 0 : index
    %get3A_461 = arith.constant 0 : index
    %get3A_462 = vector.load %arg2[%get3A_460, %get3A_461] : memref<640x1xi32, #tpu.memory_space<vmem>>, vector<640x1xi32>
    %sub3A_463 = vector.broadcast %mul3A_459 : i32 to vector<640x1xi32>
    %sub3A_464 = arith.subi %get3A_462, %sub3A_463 : vector<640x1xi32>
    %iota3A = tpu.iota {dimensions = array<i32: 1>} : vector<640x648xi32>
    %eq3A_465 = vector.broadcast %sub3A_464 : vector<640x1xi32> to vector<640x648xi32>
    %eq3A_466 = arith.cmpi eq, %eq3A_465, %iota3A : vector<640x648xi32>
    %convert_element_type3A_467 = arith.extui %eq3A_466 : vector<640x648xi1> to vector<640x648xi32>
    %convert_element_type3A_468 = arith.sitofp %convert_element_type3A_467 : vector<640x648xi32> to vector<640x648xf32>
    %dot_general3A = arith.constant dense<0.000000e+00> : vector<648x64xf32>
    %dot_general3A_469 = tpu.matmul %convert_element_type3A_468, %concatenate3A_437, %dot_general3A {dimension_numbers = #tpu.dot_dimension_numbers<[0], [0], [1], [1], [0, 1, 1, 1], [], []>, transpose_lhs_hint = false} : vector<640x648xf32>, vector<640x64xf32>, vector<648x64xf32> -> vector<648x64xf32>
    %get3A_470 = arith.index_cast %mul3A_459 : i32 to index
    %get3A_471 = arith.constant 0 : index
    %get3A_472 = vector.load %arg4[%get3A_470, %get3A_471] : memref<41984x64xf32, #tpu.memory_space<vmem>>, vector<648x64xf32>
    %add3A_473 = arith.addf %get3A_472, %dot_general3A_469 : vector<648x64xf32>
    %swap3A = arith.index_cast %mul3A_459 : i32 to index
    %swap3A_474 = arith.constant 0 : index
    %swap3A_475 = vector.load %arg4[%swap3A, %swap3A_474] : memref<41984x64xf32, #tpu.memory_space<vmem>>, vector<648x64xf32>
    tpu.vector_store %arg4[%swap3A, %swap3A_474], %add3A_473 {strides = array<i32>} : memref<41984x64xf32, #tpu.memory_space<vmem>>, vector<648x64xf32>,
    return
  }
  func.func @transform_0(%arg0: i32, %arg1: memref<250xi32, #tpu.memory_space<smem>>) -> (i32, i32) {
    %c0_i32 = arith.constant 0 : i32
    %c0_i32_0 = arith.constant 0 : i32
    return %arg0, %c0_i32 : i32, i32
  }
  func.func @transform_1(%arg0: i32, %arg1: memref<250xi32, #tpu.memory_space<smem>>) -> (i32, i32) {
    %c0_i32 = arith.constant 0 : i32
    %c0_i32_0 = arith.constant 0 : i32
    return %arg0, %c0_i32 : i32, i32
  }
  func.func @transform_2(%arg0: i32, %arg1: memref<250xi32, #tpu.memory_space<smem>>) -> (i32, i32) {
    %c0_i32 = arith.constant 0 : i32
    %c0_i32_0 = arith.constant 0 : i32
    %c0_i32_1 = arith.constant 0 : i32
    return %c0_i32, %c0_i32_0 : i32, i32
  }
}

module attributes {stable_mosaic.version = 14 : i64} {
  func.func @_expand_kernel(%arg0: i32, %arg1: memref<40xi32, #tpu.memory_space<smem>>, %arg2: memref<256x4xi32, #tpu.memory_space<vmem>>, %arg3: memref<256x4xi32, #tpu.memory_space<vmem>>, %arg4: memref<4x4xf32, #tpu.memory_space<smem>>, %arg5: memref<41984x64xf32, #tpu.memory_space<vmem>>, %arg6: memref<256x256xf32, #tpu.memory_space<vmem>>) attributes {dimension_semantics = [#tpu.dimension_semantics<arbitrary>], iteration_bounds = array<i64: 40>, scalar_prefetch = 1 : i64, scratch_operands = 0 : i64, tpu.core_type = #tpu.core_type<tc>, window_params = [{transform_indices = @transform_0, window_bounds = array<i64: 256, 4>}, {transform_indices = @transform_1, window_bounds = array<i64: 256, 4>}, {transform_indices = @transform_2, window_bounds = array<i64: 4, 4>}, {pipeline_mode = #tpu.pipeline_mode<synchronous>, transform_indices = @transform_3, window_bounds = array<i64: 41984, 64>}, {transform_indices = @transform_4, window_bounds = array<i64: 256, 256>}]} {
    %get3A = arith.index_cast %arg0 : i32 to index
    %get3A_0 = memref.load %arg1[%get3A] : memref<40xi32, #tpu.memory_space<smem>>
    %jit3A = arith.constant 8 : i32
    %div3A = arith.divsi %get3A_0, %jit3A : i32
    %sign3A = arith.constant 0 : i32
    %sign3A_1 = arith.cmpi sgt, %get3A_0, %sign3A : i32
    %sign3A_2 = arith.extui %sign3A_1 : i1 to i32
    %sign3A_3 = arith.constant 0 : i32
    %sign3A_4 = arith.cmpi slt, %get3A_0, %sign3A_3 : i32
    %sign3A_5 = arith.extui %sign3A_4 : i1 to i32
    %sign3A_6 = arith.subi %sign3A_2, %sign3A_5 : i32
    %sign3A_7 = arith.constant 0 : i32
    %sign3A_8 = arith.cmpi sgt, %jit3A, %sign3A_7 : i32
    %sign3A_9 = arith.extui %sign3A_8 : i1 to i32
    %sign3A_10 = arith.constant 0 : i32
    %sign3A_11 = arith.cmpi slt, %jit3A, %sign3A_10 : i32
    %sign3A_12 = arith.extui %sign3A_11 : i1 to i32
    %sign3A_13 = arith.subi %sign3A_9, %sign3A_12 : i32
    %ne3A = arith.cmpi ne, %sign3A_6, %sign3A_13 : i32
    %rem3A = arith.remsi %get3A_0, %jit3A : i32
    %ne3A_14 = arith.constant 0 : i32
    %ne3A_15 = arith.cmpi ne, %rem3A, %ne3A_14 : i32
    %and3A = arith.andi %ne3A, %ne3A_15 : i1
    %sub3A = arith.constant 1 : i32
    %sub3A_16 = arith.subi %div3A, %sub3A : i32
    %select_n3A = arith.select %and3A, %sub3A_16, %div3A : i32
    %mul3A = arith.constant 8 : i32
    %mul3A_17 = arith.muli %select_n3A, %mul3A : i32
    %get3A_18 = arith.index_cast %mul3A_17 : i32 to index
    %get3A_19 = arith.constant 0 : index
    %get3A_20 = vector.load %arg5[%get3A_18, %get3A_19] : memref<41984x64xf32, #tpu.memory_space<vmem>>, vector<1032x64xf32>
    %iota3A = tpu.iota {dimensions = array<i32: 1>} : vector<256x1032xi32>
    %get3A_21 = arith.constant 0 : index
    %get3A_22 = arith.constant 0 : index
    %get3A_23 = vector.load %arg2[%get3A_21, %get3A_22] : memref<256x4xi32, #tpu.memory_space<vmem>>, vector<256x1xi32>
    %sub3A_24 = vector.broadcast %mul3A_17 : i32 to vector<256x1xi32>
    %sub3A_25 = arith.subi %get3A_23, %sub3A_24 : vector<256x1xi32>
    %get3A_26 = arith.constant 0 : index
    %get3A_27 = arith.constant 0 : index
    %get3A_28 = vector.load %arg3[%get3A_26, %get3A_27] : memref<256x4xi32, #tpu.memory_space<vmem>>, vector<256x1xi32>
    %eq3A = vector.broadcast %sub3A_25 : vector<256x1xi32> to vector<256x1032xi32>
    %eq3A_29 = arith.cmpi eq, %eq3A, %iota3A : vector<256x1032xi32>
    %gt3A = arith.constant 0 : i32
    %gt3A_30 = vector.broadcast %gt3A : i32 to vector<256x1xi32>
    %gt3A_31 = arith.cmpi sgt, %get3A_28, %gt3A_30 : vector<256x1xi32>
    %and3A_32 = vector.broadcast %gt3A_31 : vector<256x1xi1> to vector<256x1032xi1>
    %and3A_33 = arith.andi %eq3A_29, %and3A_32 : vector<256x1032xi1>
    %jit3A_34 = arith.constant 1.000000e+00 : f32
    %jit3A_35 = arith.constant 0.000000e+00 : f32
    %broadcast_in_dim3A = vector.broadcast %jit3A_34 : f32 to vector<256x1032xf32>
    %broadcast_in_dim3A_36 = vector.broadcast %jit3A_35 : f32 to vector<256x1032xf32>
    %select_n3A_37 = arith.select %and3A_33, %broadcast_in_dim3A, %broadcast_in_dim3A_36 : vector<256x1032xi1>, vector<256x1032xf32>
    %dot_general3A = arith.constant dense<0.000000e+00> : vector<256x64xf32>
    %dot_general3A_38 = tpu.matmul %select_n3A_37, %get3A_20, %dot_general3A {dimension_numbers = #tpu.dot_dimension_numbers<[1], [0], [0], [1], [0, 0, 1, 1], [], []>, transpose_lhs_hint = false} : vector<256x1032xf32>, vector<1032x64xf32>, vector<256x64xf32> -> vector<256x64xf32>
    %get3A_39 = arith.constant 0 : index
    %get3A_40 = arith.constant 1 : index
    %get3A_41 = vector.load %arg2[%get3A_39, %get3A_40] : memref<256x4xi32, #tpu.memory_space<vmem>>, vector<256x1xi32>
    %sub3A_42 = vector.broadcast %mul3A_17 : i32 to vector<256x1xi32>
    %sub3A_43 = arith.subi %get3A_41, %sub3A_42 : vector<256x1xi32>
    %get3A_44 = arith.constant 0 : index
    %get3A_45 = arith.constant 1 : index
    %get3A_46 = vector.load %arg3[%get3A_44, %get3A_45] : memref<256x4xi32, #tpu.memory_space<vmem>>, vector<256x1xi32>
    %eq3A_47 = vector.broadcast %sub3A_43 : vector<256x1xi32> to vector<256x1032xi32>
    %eq3A_48 = arith.cmpi eq, %eq3A_47, %iota3A : vector<256x1032xi32>
    %gt3A_49 = arith.constant 0 : i32
    %gt3A_50 = vector.broadcast %gt3A_49 : i32 to vector<256x1xi32>
    %gt3A_51 = arith.cmpi sgt, %get3A_46, %gt3A_50 : vector<256x1xi32>
    %and3A_52 = vector.broadcast %gt3A_51 : vector<256x1xi1> to vector<256x1032xi1>
    %and3A_53 = arith.andi %eq3A_48, %and3A_52 : vector<256x1032xi1>
    %jit3A_54 = arith.constant 1.000000e+00 : f32
    %jit3A_55 = arith.constant 0.000000e+00 : f32
    %broadcast_in_dim3A_56 = vector.broadcast %jit3A_54 : f32 to vector<256x1032xf32>
    %broadcast_in_dim3A_57 = vector.broadcast %jit3A_55 : f32 to vector<256x1032xf32>
    %select_n3A_58 = arith.select %and3A_53, %broadcast_in_dim3A_56, %broadcast_in_dim3A_57 : vector<256x1032xi1>, vector<256x1032xf32>
    %dot_general3A_59 = arith.constant dense<0.000000e+00> : vector<256x64xf32>
    %dot_general3A_60 = tpu.matmul %select_n3A_58, %get3A_20, %dot_general3A_59 {dimension_numbers = #tpu.dot_dimension_numbers<[1], [0], [0], [1], [0, 0, 1, 1], [], []>, transpose_lhs_hint = false} : vector<256x1032xf32>, vector<1032x64xf32>, vector<256x64xf32> -> vector<256x64xf32>
    %get3A_61 = arith.constant 0 : index
    %get3A_62 = arith.constant 2 : index
    %get3A_63 = vector.load %arg2[%get3A_61, %get3A_62] : memref<256x4xi32, #tpu.memory_space<vmem>>, vector<256x1xi32>
    %sub3A_64 = vector.broadcast %mul3A_17 : i32 to vector<256x1xi32>
    %sub3A_65 = arith.subi %get3A_63, %sub3A_64 : vector<256x1xi32>
    %get3A_66 = arith.constant 0 : index
    %get3A_67 = arith.constant 2 : index
    %get3A_68 = vector.load %arg3[%get3A_66, %get3A_67] : memref<256x4xi32, #tpu.memory_space<vmem>>, vector<256x1xi32>
    %eq3A_69 = vector.broadcast %sub3A_65 : vector<256x1xi32> to vector<256x1032xi32>
    %eq3A_70 = arith.cmpi eq, %eq3A_69, %iota3A : vector<256x1032xi32>
    %gt3A_71 = arith.constant 0 : i32
    %gt3A_72 = vector.broadcast %gt3A_71 : i32 to vector<256x1xi32>
    %gt3A_73 = arith.cmpi sgt, %get3A_68, %gt3A_72 : vector<256x1xi32>
    %and3A_74 = vector.broadcast %gt3A_73 : vector<256x1xi1> to vector<256x1032xi1>
    %and3A_75 = arith.andi %eq3A_70, %and3A_74 : vector<256x1032xi1>
    %jit3A_76 = arith.constant 1.000000e+00 : f32
    %jit3A_77 = arith.constant 0.000000e+00 : f32
    %broadcast_in_dim3A_78 = vector.broadcast %jit3A_76 : f32 to vector<256x1032xf32>
    %broadcast_in_dim3A_79 = vector.broadcast %jit3A_77 : f32 to vector<256x1032xf32>
    %select_n3A_80 = arith.select %and3A_75, %broadcast_in_dim3A_78, %broadcast_in_dim3A_79 : vector<256x1032xi1>, vector<256x1032xf32>
    %dot_general3A_81 = arith.constant dense<0.000000e+00> : vector<256x64xf32>
    %dot_general3A_82 = tpu.matmul %select_n3A_80, %get3A_20, %dot_general3A_81 {dimension_numbers = #tpu.dot_dimension_numbers<[1], [0], [0], [1], [0, 0, 1, 1], [], []>, transpose_lhs_hint = false} : vector<256x1032xf32>, vector<1032x64xf32>, vector<256x64xf32> -> vector<256x64xf32>
    %get3A_83 = arith.constant 0 : index
    %get3A_84 = arith.constant 3 : index
    %get3A_85 = vector.load %arg2[%get3A_83, %get3A_84] : memref<256x4xi32, #tpu.memory_space<vmem>>, vector<256x1xi32>
    %sub3A_86 = vector.broadcast %mul3A_17 : i32 to vector<256x1xi32>
    %sub3A_87 = arith.subi %get3A_85, %sub3A_86 : vector<256x1xi32>
    %get3A_88 = arith.constant 0 : index
    %get3A_89 = arith.constant 3 : index
    %get3A_90 = vector.load %arg3[%get3A_88, %get3A_89] : memref<256x4xi32, #tpu.memory_space<vmem>>, vector<256x1xi32>
    %eq3A_91 = vector.broadcast %sub3A_87 : vector<256x1xi32> to vector<256x1032xi32>
    %eq3A_92 = arith.cmpi eq, %eq3A_91, %iota3A : vector<256x1032xi32>
    %gt3A_93 = arith.constant 0 : i32
    %gt3A_94 = vector.broadcast %gt3A_93 : i32 to vector<256x1xi32>
    %gt3A_95 = arith.cmpi sgt, %get3A_90, %gt3A_94 : vector<256x1xi32>
    %and3A_96 = vector.broadcast %gt3A_95 : vector<256x1xi1> to vector<256x1032xi1>
    %and3A_97 = arith.andi %eq3A_92, %and3A_96 : vector<256x1032xi1>
    %jit3A_98 = arith.constant 1.000000e+00 : f32
    %jit3A_99 = arith.constant 0.000000e+00 : f32
    %broadcast_in_dim3A_100 = vector.broadcast %jit3A_98 : f32 to vector<256x1032xf32>
    %broadcast_in_dim3A_101 = vector.broadcast %jit3A_99 : f32 to vector<256x1032xf32>
    %select_n3A_102 = arith.select %and3A_97, %broadcast_in_dim3A_100, %broadcast_in_dim3A_101 : vector<256x1032xi1>, vector<256x1032xf32>
    %dot_general3A_103 = arith.constant dense<0.000000e+00> : vector<256x64xf32>
    %dot_general3A_104 = tpu.matmul %select_n3A_102, %get3A_20, %dot_general3A_103 {dimension_numbers = #tpu.dot_dimension_numbers<[1], [0], [0], [1], [0, 0, 1, 1], [], []>, transpose_lhs_hint = false} : vector<256x1032xf32>, vector<1032x64xf32>, vector<256x64xf32> -> vector<256x64xf32>
    %get3A_105 = arith.constant 0 : index
    %get3A_106 = arith.constant 0 : index
    %get3A_107 = memref.load %arg4[%get3A_105, %get3A_106] : memref<4x4xf32, #tpu.memory_space<smem>>
    %mul3A_108 = vector.broadcast %get3A_107 : f32 to vector<256x64xf32>
    %mul3A_109 = arith.mulf %dot_general3A_38, %mul3A_108 : vector<256x64xf32>
    %get3A_110 = arith.constant 1 : index
    %get3A_111 = arith.constant 0 : index
    %get3A_112 = memref.load %arg4[%get3A_110, %get3A_111] : memref<4x4xf32, #tpu.memory_space<smem>>
    %mul3A_113 = vector.broadcast %get3A_112 : f32 to vector<256x64xf32>
    %mul3A_114 = arith.mulf %dot_general3A_60, %mul3A_113 : vector<256x64xf32>
    %add3A = arith.addf %mul3A_109, %mul3A_114 : vector<256x64xf32>
    %get3A_115 = arith.constant 2 : index
    %get3A_116 = arith.constant 0 : index
    %get3A_117 = memref.load %arg4[%get3A_115, %get3A_116] : memref<4x4xf32, #tpu.memory_space<smem>>
    %mul3A_118 = vector.broadcast %get3A_117 : f32 to vector<256x64xf32>
    %mul3A_119 = arith.mulf %dot_general3A_82, %mul3A_118 : vector<256x64xf32>
    %add3A_120 = arith.addf %add3A, %mul3A_119 : vector<256x64xf32>
    %get3A_121 = arith.constant 3 : index
    %get3A_122 = arith.constant 0 : index
    %get3A_123 = memref.load %arg4[%get3A_121, %get3A_122] : memref<4x4xf32, #tpu.memory_space<smem>>
    %mul3A_124 = vector.broadcast %get3A_123 : f32 to vector<256x64xf32>
    %mul3A_125 = arith.mulf %dot_general3A_104, %mul3A_124 : vector<256x64xf32>
    %add3A_126 = arith.addf %add3A_120, %mul3A_125 : vector<256x64xf32>
    %get3A_127 = arith.constant 0 : index
    %get3A_128 = arith.constant 1 : index
    %get3A_129 = memref.load %arg4[%get3A_127, %get3A_128] : memref<4x4xf32, #tpu.memory_space<smem>>
    %mul3A_130 = vector.broadcast %get3A_129 : f32 to vector<256x64xf32>
    %mul3A_131 = arith.mulf %dot_general3A_38, %mul3A_130 : vector<256x64xf32>
    %get3A_132 = arith.constant 1 : index
    %get3A_133 = arith.constant 1 : index
    %get3A_134 = memref.load %arg4[%get3A_132, %get3A_133] : memref<4x4xf32, #tpu.memory_space<smem>>
    %mul3A_135 = vector.broadcast %get3A_134 : f32 to vector<256x64xf32>
    %mul3A_136 = arith.mulf %dot_general3A_60, %mul3A_135 : vector<256x64xf32>
    %add3A_137 = arith.addf %mul3A_131, %mul3A_136 : vector<256x64xf32>
    %get3A_138 = arith.constant 2 : index
    %get3A_139 = arith.constant 1 : index
    %get3A_140 = memref.load %arg4[%get3A_138, %get3A_139] : memref<4x4xf32, #tpu.memory_space<smem>>
    %mul3A_141 = vector.broadcast %get3A_140 : f32 to vector<256x64xf32>
    %mul3A_142 = arith.mulf %dot_general3A_82, %mul3A_141 : vector<256x64xf32>
    %add3A_143 = arith.addf %add3A_137, %mul3A_142 : vector<256x64xf32>
    %get3A_144 = arith.constant 3 : index
    %get3A_145 = arith.constant 1 : index
    %get3A_146 = memref.load %arg4[%get3A_144, %get3A_145] : memref<4x4xf32, #tpu.memory_space<smem>>
    %mul3A_147 = vector.broadcast %get3A_146 : f32 to vector<256x64xf32>
    %mul3A_148 = arith.mulf %dot_general3A_104, %mul3A_147 : vector<256x64xf32>
    %add3A_149 = arith.addf %add3A_143, %mul3A_148 : vector<256x64xf32>
    %get3A_150 = arith.constant 0 : index
    %get3A_151 = arith.constant 2 : index
    %get3A_152 = memref.load %arg4[%get3A_150, %get3A_151] : memref<4x4xf32, #tpu.memory_space<smem>>
    %mul3A_153 = vector.broadcast %get3A_152 : f32 to vector<256x64xf32>
    %mul3A_154 = arith.mulf %dot_general3A_38, %mul3A_153 : vector<256x64xf32>
    %get3A_155 = arith.constant 1 : index
    %get3A_156 = arith.constant 2 : index
    %get3A_157 = memref.load %arg4[%get3A_155, %get3A_156] : memref<4x4xf32, #tpu.memory_space<smem>>
    %mul3A_158 = vector.broadcast %get3A_157 : f32 to vector<256x64xf32>
    %mul3A_159 = arith.mulf %dot_general3A_60, %mul3A_158 : vector<256x64xf32>
    %add3A_160 = arith.addf %mul3A_154, %mul3A_159 : vector<256x64xf32>
    %get3A_161 = arith.constant 2 : index
    %get3A_162 = arith.constant 2 : index
    %get3A_163 = memref.load %arg4[%get3A_161, %get3A_162] : memref<4x4xf32, #tpu.memory_space<smem>>
    %mul3A_164 = vector.broadcast %get3A_163 : f32 to vector<256x64xf32>
    %mul3A_165 = arith.mulf %dot_general3A_82, %mul3A_164 : vector<256x64xf32>
    %add3A_166 = arith.addf %add3A_160, %mul3A_165 : vector<256x64xf32>
    %get3A_167 = arith.constant 3 : index
    %get3A_168 = arith.constant 2 : index
    %get3A_169 = memref.load %arg4[%get3A_167, %get3A_168] : memref<4x4xf32, #tpu.memory_space<smem>>
    %mul3A_170 = vector.broadcast %get3A_169 : f32 to vector<256x64xf32>
    %mul3A_171 = arith.mulf %dot_general3A_104, %mul3A_170 : vector<256x64xf32>
    %add3A_172 = arith.addf %add3A_166, %mul3A_171 : vector<256x64xf32>
    %get3A_173 = arith.constant 0 : index
    %get3A_174 = arith.constant 3 : index
    %get3A_175 = memref.load %arg4[%get3A_173, %get3A_174] : memref<4x4xf32, #tpu.memory_space<smem>>
    %mul3A_176 = vector.broadcast %get3A_175 : f32 to vector<256x64xf32>
    %mul3A_177 = arith.mulf %dot_general3A_38, %mul3A_176 : vector<256x64xf32>
    %get3A_178 = arith.constant 1 : index
    %get3A_179 = arith.constant 3 : index
    %get3A_180 = memref.load %arg4[%get3A_178, %get3A_179] : memref<4x4xf32, #tpu.memory_space<smem>>
    %mul3A_181 = vector.broadcast %get3A_180 : f32 to vector<256x64xf32>
    %mul3A_182 = arith.mulf %dot_general3A_60, %mul3A_181 : vector<256x64xf32>
    %add3A_183 = arith.addf %mul3A_177, %mul3A_182 : vector<256x64xf32>
    %get3A_184 = arith.constant 2 : index
    %get3A_185 = arith.constant 3 : index
    %get3A_186 = memref.load %arg4[%get3A_184, %get3A_185] : memref<4x4xf32, #tpu.memory_space<smem>>
    %mul3A_187 = vector.broadcast %get3A_186 : f32 to vector<256x64xf32>
    %mul3A_188 = arith.mulf %dot_general3A_82, %mul3A_187 : vector<256x64xf32>
    %add3A_189 = arith.addf %add3A_183, %mul3A_188 : vector<256x64xf32>
    %get3A_190 = arith.constant 3 : index
    %get3A_191 = arith.constant 3 : index
    %get3A_192 = memref.load %arg4[%get3A_190, %get3A_191] : memref<4x4xf32, #tpu.memory_space<smem>>
    %mul3A_193 = vector.broadcast %get3A_192 : f32 to vector<256x64xf32>
    %mul3A_194 = arith.mulf %dot_general3A_104, %mul3A_193 : vector<256x64xf32>
    %add3A_195 = arith.addf %add3A_189, %mul3A_194 : vector<256x64xf32>
    %concatenate3A = tpu.concatenate %add3A_126, %add3A_149, %add3A_172, %add3A_195 in 1 : vector<256x64xf32>, vector<256x64xf32>, vector<256x64xf32>, vector<256x64xf32> -> vector<256x256xf32>
    %swap3A = arith.constant 0 : index
    %swap3A_196 = arith.constant 0 : index
    %swap3A_197 = vector.load %arg6[%swap3A, %swap3A_196] : memref<256x256xf32, #tpu.memory_space<vmem>>, vector<256x256xf32>
    tpu.vector_store %arg6[%swap3A, %swap3A_196], %concatenate3A {strides = array<i32>} : memref<256x256xf32, #tpu.memory_space<vmem>>, vector<256x256xf32>,
    return
  }
  func.func @transform_0(%arg0: i32, %arg1: memref<40xi32, #tpu.memory_space<smem>>) -> (i32, i32) {
    %c0_i32 = arith.constant 0 : i32
    %c0_i32_0 = arith.constant 0 : i32
    return %arg0, %c0_i32 : i32, i32
  }
  func.func @transform_1(%arg0: i32, %arg1: memref<40xi32, #tpu.memory_space<smem>>) -> (i32, i32) {
    %c0_i32 = arith.constant 0 : i32
    %c0_i32_0 = arith.constant 0 : i32
    return %arg0, %c0_i32 : i32, i32
  }
  func.func @transform_2(%arg0: i32, %arg1: memref<40xi32, #tpu.memory_space<smem>>) -> (i32, i32) {
    %c0_i32 = arith.constant 0 : i32
    %c0_i32_0 = arith.constant 0 : i32
    %c0_i32_1 = arith.constant 0 : i32
    return %c0_i32, %c0_i32_0 : i32, i32
  }
  func.func @transform_3(%arg0: i32, %arg1: memref<40xi32, #tpu.memory_space<smem>>) -> (i32, i32) {
    %c0_i32 = arith.constant 0 : i32
    %c0_i32_0 = arith.constant 0 : i32
    %c0_i32_1 = arith.constant 0 : i32
    return %c0_i32, %c0_i32_0 : i32, i32
  }
  func.func @transform_4(%arg0: i32, %arg1: memref<40xi32, #tpu.memory_space<smem>>) -> (i32, i32) {
    %c0_i32 = arith.constant 0 : i32
    %c0_i32_0 = arith.constant 0 : i32
    return %arg0, %c0_i32 : i32, i32
  }
}

</mosaic_0001>

<sc_bundles>
// kernel: gather_offload_async_start.1
scs
__scs_entry_jumppad:
0x0: {  	(pc) =	sbr.rel $0x88, $3  }
0x1: {  	(tag) =	ssettag $0x0;
	lr =	simm.s32 $0x1  }
0x2: {  	[smem:$0x3F9C] =	sst lr;
	_ =	strace $0xD0000000  }
0x3: {  	_ = 	snop  }
0x4: {  	_ = 	snop  }
0x5: {  	_ = 	snop  }
0x6: {  	_ = 	snop  }
0x7: {  	_ = 	snop  }
__scs_overlays_trampoline_lowered:
0x8: {  	[smem:$0x3FAB] =	sst s0  }
0x9: {  	[smem:$0x3FAC] =	sst s1  }
0xa: {  	[smem:$0x3FAD] =	sst s2  }
0xb: {  	[smem:$0x3FAE] =	sst s3  }
0xc: {  	[smem:$0x3FAF] =	sst s4  }
0xd: {  	[smem:$0x3FB0] =	sst s5  }
0xe: {  	[smem:$0x3FB1] =	sst s6  }
0xf: {  	[smem:$0x3FB2] =	sst s7  }
0x10: {  	[smem:$0x3FB3] =	sst s8  }
0x11: {  	[smem:$0x3FB4] =	sst s9;
	s0 =	simm.s32 @!p0 $0x0  }
0x12: {  	s1 =	sld [smem:$0x3F9A];
	s0 =	simm.s32 @p0 $0x1  }
0x13: {  	[smem:$0x3FB5] =	sst s0;
	s0 =	simm.s32 @!p1 $0x0  }
0x14: {  	s2 =	sld [smem:$0x3F99];
	s0 =	simm.s32 @p1 $0x1  }
0x15: {  	[smem:$0x3FB6] =	sst s0;
	s0 =	simm.s32 @!p2 $0x0  }
0x16: {  	s3 =	sld [smem:$0x3FDB];
	s0 =	simm.s32 @p2 $0x1  }
0x17: {  	s4 =	simm.s32 $0x1BF5;
	[smem:$0x3FB8] =	sst s0  }
0x18: {  	s0 =	sld [smem:$0x3F9B];
	_ =	swait.ge [sflag:s4], $0x0  }
0x19: {  	s7 =	sld [smem:$0x3F9C]  }
0x1a: {  	s8 =	sadd.s32 $0xFFFFE003, lr  }
0x1b: {  	s9 =	sadd.s32 $0xFFFFFEF7, lr;
	s5 =	simm.s32 $0xFFFFFFFF;
	p2 =	slt.u32 s8, $0xFFFFF086  }
0x1c: {  	p1 =	slt.u32 s9, $0xF7A;
	s5 =	simm.s32 @!p2 $0x0  }
0x1d: {  	s5 =	simm.s32 @p1 $0x1;
	p0 =	seq.s32 s7, s2  }
0x1e: {  	s7 =	smul.u32 @!p0 $0xF7A, s2;
	p2 =	seq.s32 @!p0 s5, $0x0  }
0x1f: {  	s9 =	smul.u32 $0xF7A, s1;
	s8 =	simm.s32 @!p0 $0x1BF5;
	p2 =	por !p2, p0  }
0x20: {  	[sflag:s8] =	ssyncset.s32 @!p0 $0xFFFFF086;
	s6 =	sadd.s32 @!p0 s3, s7;
	s7 =	simm.s32 @!p0 $0x108  }
0x21: {  	s3 =	sadd.s32 s3, s9;
	s6 =	sadd.s32 @!p0 $0x88, s6;
	s7 =	simm.s32 @p2 $0x1082  }
0x22: {  	[simem:s7], [sflag:s8] =	dma.local @!p0 [hbm:s6], $0xF7A  }
0x23: {  	s9 =	sor.u32 $0xD0000000, s2;
	s6 =	simm.s32 $0x108;
	_ =	swait.ge @!p0 [sflag:s8], $0x0  }
0x24: {  	s3 =	sadd.s32 $0x88, s3;
	s6 =	simm.s32 @!p1 $0x1082;
	[sflag:s4] =	ssyncset.s32 $0xFFFFF086  }
0x25: {  	[simem:s6], [sflag:s4] =	dma.local [hbm:s3], $0xF7A  }
0x26: {  	[smem:$0x3F9C] =	sst s1;
	(tag) =	ssettag s2;
	_ =	strace s9  }
0x27: {  	s1 =	sld [smem:$0x3FAC]  }
0x28: {  	s2 =	sld [smem:$0x3FAD]  }
0x29: {  	s4 =	sld [smem:$0x3FAF]  }
0x2a: {  	p0 =	seq.s32 s5, $0x0;
	s5 =	sld [smem:$0x3FB0]  }
0x2b: {  	s6 =	sld [smem:$0x3FB1]  }
0x2c: {  	s7 =	sld [smem:$0x3FB2]  }
0x2d: {  	s3 =	simm.s32 $0x108;
	s8 =	sld [smem:$0x3FB3]  }
0x2e: {  	s3 =	simm.s32 @!p0 $0x1082;
	s9 =	sld [smem:$0x3FB4]  }
0x2f: {  	lr =	sadd.s32 s0, s3;
	s0 =	sld [smem:$0x3FAB]  }
0x30: {  	s3 =	sld [smem:$0x3FAE]  }
0x31: {  	[smem:$0x3FB7] =	sst s10  }
0x32: {  	s10 =	sld [smem:$0x3FB5];
	_ =	sdelay $0x3  }
0x33: {  	p0 =	seq.s32 s10, $0x1;
	s10 =	sld [smem:$0x3FB7];
	_ =	sdelay $0x3  }
0x34: {  	[smem:$0x3FB7] =	sst s10  }
0x35: {  	s10 =	sld [smem:$0x3FB6];
	_ =	sdelay $0x3  }
0x36: {  	p1 =	seq.s32 s10, $0x1;
	s10 =	sld [smem:$0x3FB7];
	_ =	sdelay $0x3  }
0x37: {  	[smem:$0x3FB7] =	sst s10  }
0x38: {  	s10 =	sld [smem:$0x3FB8]  }
0x39: {  	_ = 	snop;
	(pc) =	sbr.ind lr, $3  }
0x3a: {  	_ = 	snop  }
0x3b: {  	_ = 	snop  }
0x3c: {  	p2 =	seq.s32 s10, $0x1;
	s10 =	sld [smem:$0x3FB7]  }
0x3d: {  	_ =	shalt  }
0x3e: {  	_ =	shalt  }
0x3f: {  	_ =	shalt  }
0x40: {  	_ =	shalt  }
0x41: {  	_ =	shalt  }
0x42: {  	_ =	shalt  }
0x43: {  	_ =	shalt  }
0x44: {  	_ =	shalt  }
0x45: {  	_ =	shalt  }
0x46: {  	_ =	shalt  }
0x47: {  	_ =	shalt  }
0x48: {  	_ =	shalt  }
0x49: {  	_ =	shalt  }
0x4a: {  	_ =	shalt  }
0x4b: {  	_ =	shalt  }
0x4c: {  	_ =	shalt  }
0x4d: {  	_ =	shalt  }
0x4e: {  	_ =	shalt  }
0x4f: {  	_ =	shalt  }
0x50: {  	_ =	shalt  }
0x51: {  	_ =	shalt  }
0x52: {  	_ =	shalt  }
0x53: {  	_ =	shalt  }
0x54: {  	_ =	shalt  }
0x55: {  	_ =	shalt  }
0x56: {  	_ =	shalt  }
0x57: {  	_ =	shalt  }
0x58: {  	_ =	shalt  }
0x59: {  	_ =	shalt  }
0x5a: {  	_ =	shalt  }
0x5b: {  	_ =	shalt  }
0x5c: {  	_ =	shalt  }
0x5d: {  	_ =	shalt  }
0x5e: {  	_ =	shalt  }
0x5f: {  	_ =	shalt  }
0x60: {  	_ =	shalt  }
0x61: {  	_ =	shalt  }
0x62: {  	_ =	shalt  }
0x63: {  	_ =	shalt  }
0x64: {  	_ =	shalt  }
0x65: {  	_ =	shalt  }
0x66: {  	_ =	shalt  }
0x67: {  	_ =	shalt  }
0x68: {  	_ =	shalt  }
0x69: {  	_ =	shalt  }
0x6a: {  	_ =	shalt  }
0x6b: {  	_ =	shalt  }
0x6c: {  	_ =	shalt  }
0x6d: {  	_ =	shalt  }
0x6e: {  	_ =	shalt  }
0x6f: {  	_ =	shalt  }
0x70: {  	_ =	shalt  }
0x71: {  	_ =	shalt  }
0x72: {  	_ =	shalt  }
0x73: {  	_ =	shalt  }
0x74: {  	_ =	shalt  }
0x75: {  	_ =	shalt  }
0x76: {  	_ =	shalt  }
0x77: {  	_ =	shalt  }
0x78: {  	_ =	shalt  }
0x79: {  	_ =	shalt  }
0x7a: {  	_ =	shalt  }
0x7b: {  	_ =	shalt  }
0x7c: {  	_ =	shalt  }
0x7d: {  	_ =	shalt  }
0x7e: {  	_ =	shalt  }
0x7f: {  	_ =	shalt  }
0x80: {  	_ =	shalt  }
0x81: {  	_ =	shalt  }
0x82: {  	_ =	shalt  }
0x83: {  	_ =	shalt  }
0x84: {  	_ =	shalt  }
0x85: {  	_ =	shalt  }
0x86: {  	_ =	shalt  }
0x87: {  	_ =	shalt  }
.Lfunc_end0:
.L_simem_size_0:
called_computation.2_lowered:
.L_overlay_start_0:
0x88: {  	s2 =	sld [smem:$0x3FD9]  }
0x89: {  	s3 =	sld [smem:$0x3FFE];
	_ =	sdelay $0x1  }
0x8a: {  	s1 =	srdreg.scid  }
0x8b: {  	s0 =	sand.u32 $0x1, s1  }
0x8c: {  	s17 =	sshll.u32 s0, $0xA;
	s2 =	sadd.s32 s3, s2  }
0x8d: {  	s2 =	sadd.s32 s2, s17  }
0x8e: {  	[smem:$0x3FC3] =	sst s2  }
0x8f: {  	_ = 	snop  }
0x90: {  	s2 =	sld [smem:$0x3FD0];
	(tm) =	ssettm $0x1  }
0x91: {  	s18 =	sld [smem:$0x3FFB];
	_ =	sdelay $0x3  }
0x92: {  	_ =	strace s18  }
0x93: {  	s3 =	sld [smem:$0x3FFC];
	_ =	sdelay $0x3  }
0x94: {  	_ =	strace s3  }
0x95: {  	s3 =	sld [smem:$0x3FFD];
	_ =	sdelay $0x3  }
0x96: {  	_ =	strace s3  }
0x97: {  	_ =	strace $0x8FFFFFFF  }
0x98: {  	s19 =	sld [smem:$0x3FDB];
	_ =	sdelay $0x1  }
0x99: {  	s4 =	simm.s32 $_scs_section_size  }
0x9a: {  	s5 =	simm.s32 $_size__tile_overlayer_lowered;
	s6 =	simm.s32 $_tile_overlayer_lowered  }
0x9b: {  	s22 =	simm.s32 $0x1BFF;
	s21 =	sshll.u32 s6, $0x1;
	s3 =	sadd.s32 s4, s19  }
0x9c: {  	s7 =	simm.s32 $0x0;
	s20 =	sshll.u32 s5, $0x1;
	s5 =	sadd.s32 s21, s3  }
0x9d: {  	[timem:s7], [sflag:s22] =	dma.local [hbm:s5], s20  }
0x9e: {  	_ =	swait.ge [sflag:s22], s20  }
0x9f: {  	s4 =	ssub.s32 $0x0, s20;
	[sflag:s22] =	ssyncset.done $0x0  }
0xa0: {  	[sflag:s22] =	ssyncadd.s32 s4;
	_ =	sdelay $0x1  }
0xa1: {  	s23 =	simm.s32 $0x1B8B  }
0xa2: {  	_ =	swait.ge [sflag:s23], $0x1  }
0xa3: {  	[sflag:s23] =	ssyncset.done $0x0  }
0xa4: {  	s25 =	simm.s32 $0x1B8E;
	s24 =	sld [smem:$0x3FFE];
	[sflag:s23] =	ssyncadd.s32 $0xFFFFFFFF  }
0xa5: {  	s26 =	simm.s32 $execute0_lowered;
	[smem:$0x3FD2] =	sst s25  }
0xa6: {  	s5 =	sshll.u32 s26, $0x1;
	_ =	strace $0x80000046;
	[dreg:$0x1] =	wrdreg $0xFFFFFFFF  }
0xa7: {  	s28 =	simm.s32 $_size_execute0_lowered;
	s3 =	sadd.s32 s3, s5;
	[dreg:$0x0] =	wrdreg $0x0  }
0xa8: {  	s5 =	sshll.u32 s28, $0x1;
	[dreg:$0x2] =	wrdreg s3  }
0xa9: {  	[dreg:$0x3] =	wrdreg s5  }
0xaa: {  	[dreg:$0x4] =	wrdreg $0xC0  }
0xab: {  	_ =	task [dreg:s7], $0x5FFFF  }
0xac: {  	[dreg:$0x1] =	wrdreg $0xFFFFFFFF  }
0xad: {  	[dreg:$0x0] =	wrdreg $0x60  }
0xae: {  	[dreg:$0x2] =	wrdreg s2  }
0xaf: {  	[dreg:$0x3] =	wrdreg s24  }
0xb0: {  	[dreg:$0x4] =	wrdreg $0x9  }
0xb1: {  	_ =	task.clear_ibuf [dreg:s7], $0x5FFFF;
	_ =	strace $0x90000046  }
0xb2: {  	s29 =	simm.s32 $0x9;
	_ =	strace $0x80000048  }
0xb3: {  	_ =	swait.ge [sflag:s29], $0x1  }
0xb4: {  	[sflag:s29] =	ssyncadd.s32 $0xFFFFFFFF  }
0xb5: {  	_ =	strace $0x90000048  }
0xb6: {  	_ =	sfence  }
0xb7: {  	s30 =	sld [smem:$0x0];
	_ =	sdelay $0x2  }
0xb8: {  	s31 =	sshll.u32 s1, $0xD;
	s1 =	sshrl.u32 s1, $0x2  }
0xb9: {  	s3 =	sand.u32 $0x4000, s31;
	s1 =	sadd.s32 s1, s30  }
0xba: {  	s0 =	sor.u32 s3, s0;
	s1 =	sshll.u32 s1, $0x11  }
0xbb: {  	s0 =	sor.u32 s1, s0  }
0xbc: {  	s0 =	sadd.s32 $0x8F2B, s0  }
0xbd: {  	[sflag:s0] =	ssyncadd.remote.s32 $0x1  }
0xbe: {  	_ =	sfence.sel $0xFFFF  }
0xbf: {  	[dreg:$0x0] =	wrdreg $0xFFFFFFFF;
	(pc) =	sbr.abs _section_cstart, $3  }
0xc0: {  	[dreg:$0x1] =	wrdreg $0xFFFFFFFF  }
0xc1: {  	_ =	task.clear_ibuf [dreg:s7], $0x2FFFF;
	_ =	strace $0x9FFFFFFF  }
0xc2: {  	(tm) =	ssettm $0x7FFFFFFF  }
0xc3: {  	_ =	shalt  }
tec
execute0_lowered:
.L_overlay_start_1:
0x0: {  	(tag) =	ssettag $0x1  }
0x1: {  	s2 =	rddreg [dreg:$0x0]  }
0x2: {  	s8 =	rddreg [dreg:$0x1]  }
0x3: {  	s0 =	rddreg [dreg:$0x2];
	s1 =	stileid.u32  }
0x4: {  	s3 =	srdreg.scid;
	_ =	strace $0x80000047;
	s4 =	simm.s32 $0x1  }
0x5: {  	s7 =	simm.s32 $0x1;
	s9 =	simm.s32 $0x1;
	s10 =	simm.s32 $0x3  }
0x6: {  	s13 =	simm.s32 $0x0;
	s5 =	sand.u32 $0x1, s3;
	s6 =	sshll.u32 s1, $0x1  }
0x7: {  	s12 =	simm.s32 $0x0;
	s3 =	sadd.s32 $0x3600, s8;
	s5 =	sor.u32 s6, s5  }
.Ltmp0:
0x8: {  	[sflag:s4] =	ssyncpa.u1 $0x0;
	p0 =	slt.u32 s5, $0x9;
	(pc) =	sbr.rel .LBB2_1-.Ltmp0, $4  }
0x9: {  	s6 =	simm.s32 $0x2;
	s7 =	simm.s32 @!p0 $0x0;
	p0 =	sne.s32 s5, $0x8  }
0xa: {  	[sflag:s6] =	ssyncpa.u1 $0x0;
	s5 =	smul.u32 $0xFA0, s5;
	s9 =	simm.s32 @!p0 $0x0  }
0xb: {  	s8 =	sadd.s32 $0x8600, s8;
	[sflag:s10] =	ssyncpa.u1 $0x0;
	s7 =	sadd.s32 s9, s7  }
0xc: {  	vm0 =	vmmov $0xffff;
	s10 =	simm.s32 $0x0;
	s11 =	smov.u32 s5;
	s9 =	sadd.s32 $0x1, s7  }
.LBB2_4:
0xd: {  	v2 =	vnsel vm1, $0x0, v2  }
0xe: {  	vm1 =	vgt.s32 v0, $0x0;
	v2 =	vmin.u32 v2, $0x270FF  }
0xf: {  	v0 =	vnsel vm1, $0x0, v0  }
0x10: {  	v0 =	vmin.u32 v0, $0x270FF  }
0x11: {  	[tilespmem:s18], [sflag:$0x1] =	stream.indirect_vreg.gather [hbm4b:s2+s10], $0x1, v1, vm0, $0x4038;
	[tilespmem:$0x3E80] =	vst v63  }
0x12: {  	(ifvalue) =	ssetifvalue $0x7FFFFFFF  }
0x13: {  	[tilespmem:s15], [sflag:$0x1] =	stream.indirect_vreg.gather [hbm4b:s2+s10], $0x1, v2, vm0, $0x4038;
	[tilespmem:$0x3E80] =	vst v63  }
0x14: {  	s29 =	sadd.s32 $0x10, s15;
	(ifvalue) =	ssetifvalue $0x7FFFFFFF  }
0x15: {  	[tilespmem:s29], [sflag:$0x1] =	stream.indirect_vreg.gather [hbm4b:s2+s10], $0x1, v0, vm0, $0x4038;
	[tilespmem:$0x3E80] =	vst v63  }
0x16: {  	_ =	swait.ge [sflag:s4], $0xFA0  }
0x17: {  	s30 =	sshrl.u32 s13, $0x3;
	[sflag:s4] =	ssyncset.done $0x0  }
0x18: {  	s31 =	sand.u32 $0x7, s13;
	s15 =	sadd.s32 s8, s30;
	[sflag:s4] =	ssyncadd.s32 $0xFFFFF060  }
0x19: {  	[hbm4b:s15+s31] =	stream.linear.scatter [tilespmem:s14], [sflag:$0x3], $0xFA0, $0x38;
	[tilespmem:$0x3E80] =	vst v63  }
.LBB2_5:
0x1a: {  	s15 =	sadd.s32 $0x1F400, s11  }
0x1b: {  	p1 =	sgt.s32 s15, $0x270FF  }
0x1c: {  	s15 =	smov.u32 @p1 s5;
	p1 =	sne.s32 s12, s9  }
.Ltmp1:
0x1d: {  	p0 =	slt.u32 s12, $0x2;
	(pc) =	sbr.rel @!p1 .LBB2_6-.Ltmp1, $4  }
0x1e: {  	s14 =	simm.s32 @!p0 $0x3  }
0x1f: {  	_ =	swait.ge @!p0 [sflag:s14], $0xFA0  }
0x20: {  	s16 =	sadd.s32 $0x1, s12;
	s13 =	smov.u32 s11;
	[sflag:s14] =	ssyncset.done @!p0 $0x0  }
0x21: {  	s12 =	smov.u32 s16;
	s11 =	smov.u32 s15;
	[sflag:s14] =	ssyncadd.s32 @!p0 $0xFFFFF060  }
.LBB2_1:
0x22: {  	p0 =	sge.u32 s12, s7  }
0x23: {  	s14 =	sxor.u32 @!p0 $0x1, s12  }
0x24: {  	s14 =	smul.u32 @!p0 $0x3E80, s14  }
0x25: {  	s31 =	sadd.s32 $0xFFFFFFFF, s12;
	s15 =	sshrl.u32 @!p0 s11, $0x3  }
0x26: {  	s16 =	sand.u32 @!p0 $0x7, s11;
	s15 =	sadd.s32 @!p0 s3, s15;
	s14 =	sshra.s32 @!p0 s14, $0x2  }
0x27: {  	[tilespmem:s14], [sflag:$0x2] =	stream.linear.gather @!p0 [hbm4b:s15+s16], $0xFA0, $0x38;
	[tilespmem:$0x3E80] =	vst v63  }
0x28: {  	p0 =	sge.u32 s31, s7  }
.Ltmp2:
0x29: {  	_ = 	snop;
	(pc) =	sbr.rel @p0 .LBB2_5-.Ltmp2, $1  }
0x2a: {  	_ =	sdelay $0x3  }
0x2b: {  	s14 =	sand.u32 $0x1, s12  }
0x2c: {  	_ =	swait.ge [sflag:s6], $0xFA0;
	p0 =	seq.s32 s14, $0x1;
	s14 =	simm.s32 $0xFA0  }
0x2d: {  	[sflag:s6] =	ssyncset.done $0x0;
	s14 =	simm.s32 @!p0 $0x0  }
0x2e: {  	[sflag:s6] =	ssyncadd.s32 $0xFFFFF060;
	(ifvalue) =	ssetifvalue $0x7FFFFFFF;
	v0 =	vld.msk [tilespmem:s14+$0x0 ss:$0x1], $0xffff;
	_ =	sdelay $0x4  }
0x2f: {  	s15 =	sadd.s32 $0x10, s14;
	vm1 =	vgt.s32 v0, $0x0  }
0x30: {  	v2 =	vld.msk [tilespmem:s15+$0x0 ss:$0x1], $0xffff;
	v1 =	vnsel vm1, $0x0, v0  }
0x31: {  	v1 =	vmin.u32 v1, $0x270FF;
	_ =	sdelay $0x2  }
0x32: {  	s17 =	simm.s32 $0x20;
	s14 =	sadd.s32 $0x1F40, s14;
	s16 =	sadd.s32 $0x10, s15  }
0x33: {  	s15 =	sadd.s32 $0x10, s14;
	s18 =	smov.u32 s14;
	v0 =	vld.msk [tilespmem:s16+$0x0 ss:$0x1], $0xffff;
	vm1 =	vgt.s32 v2, $0x0;
	(ifvalue) =	ssetifvalue $0x7FFFFFFF  }
.LBB2_3:
0x34: {  	[tilespmem:s18], [sflag:$0x1] =	stream.indirect_vreg.gather [hbm4b:s2+s10], $0x1, v1, vm0, $0x4038;
	[tilespmem:$0x3E80] =	vst v63  }
0x35: {  	s17 =	sadd.s32 $0x10, s17  }
0x36: {  	v2 =	vnsel vm1, $0x0, v2;
	p0 =	slt.u32 s17, $0xF90  }
.Ltmp3:
0x37: {  	s18 =	smov.u32 s15;
	v1 =	vmin.u32 v2, $0x270FF;
	(pc) =	sbr.rel @p0 .LBB2_3-.Ltmp3, $3  }
0x38: {  	_ =	sdelay $0x1  }
0x39: {  	s16 =	sadd.s32 $0x10, s16  }
0x3a: {  	vm1 =	vgt.s32 v0, $0x0;
	s15 =	sadd.s32 $0x10, s15;
	v2 =	vmov v0;
	(ifvalue) =	ssetifvalue $0x7FFFFFFF;
	v0 =	vld.msk [tilespmem:s16+$0x0 ss:$0x1], $0xffff  }
.Ltmp4:
0x3b: {  	_ = 	snop;
	(pc) =	sbr.rel .LBB2_4-.Ltmp4, $1  }
0x3c: {  	_ =	sdelay $0x3  }
.LBB2_6:
0x3d: {  	_ =	sfence.sel $0x180000  }
0x3e: {  	s2 =	simm.s32 $0x2;
	[bflag:$0x0] =	sbarrier.arrive $0xFFFF  }
0x3f: {  	s30 =	simm.s32 $0x3;
	[sflag:s2] =	ssyncpa.u1 $0x1  }
0x40: {  	s31 =	simm.s32 $0x1;
	[sflag:s30] =	ssyncpa.u1 $0x1  }
0x41: {  	[sflag:s31] =	ssyncpa.u1 $0x1  }
0x42: {  	p0 =	sne.s32 s1, $0x0;
	_ =	strace $0x90000047  }
0x43: {  	s0 =	sadd.s32 @!p0 $0x100000, s0;
	[bflag:$0x2] =	sbarrier.arrive $0xFFFF  }
0x44: {  	[sflag:s0] =	ssyncadd.tile.s32 @!p0 $0x1;
	_ =	shalt  }
.Lfunc_end2:
_tile_overlayer_lowered:
.L_overlay_start_2:
0x45: {  	(tag) =	ssettag $0x2  }
0x46: {  	s0 =	rddreg [dreg:$0x0];
	s2 =	stileid.u32  }
0x47: {  	s1 =	rddreg [dreg:$0x1];
	p0 =	sne.s32 s2, $0x0  }
0x48: {  	s3 =	rddreg [dreg:$0x2];
	[bflag:$0x3] =	sbarrier.arrive $0xFFFF;
	s2 =	simm.s32 @!p0 $0x1C01  }
0x49: {  	[timem:s3], [sflag:s2] =	dma.local @!p0 [hbm:s0], s1  }
0x4a: {  	s0 =	simm.s32 @!p0 $0x1  }
0x4b: {  	_ =	swait.ge @!p0 [sflag:s0], s1  }
0x4c: {  	s1 =	ssub.s32 @!p0 $0x0, s1;
	[sflag:s0] =	ssyncset.done @!p0 $0x0  }
0x4d: {  	[sflag:s0] =	ssyncadd.s32 @!p0 s1  }
0x4e: {  	[bflag:$0x3] =	sbarrier.arrive $0xFFFF  }
0x4f: {  	_ =	shalt  }

// kernel: gather_offload_async_start.2
scs
__scs_entry_jumppad:
0x0: {  	(pc) =	sbr.rel $0x88, $3  }
0x1: {  	(tag) =	ssettag $0x0;
	lr =	simm.s32 $0x1  }
0x2: {  	[smem:$0x3F9C] =	sst lr;
	_ =	strace $0xD0000000  }
0x3: {  	_ = 	snop  }
0x4: {  	_ = 	snop  }
0x5: {  	_ = 	snop  }
0x6: {  	_ = 	snop  }
0x7: {  	_ = 	snop  }
__scs_overlays_trampoline_lowered:
0x8: {  	[smem:$0x3FAB] =	sst s0  }
0x9: {  	[smem:$0x3FAC] =	sst s1  }
0xa: {  	[smem:$0x3FAD] =	sst s2  }
0xb: {  	[smem:$0x3FAE] =	sst s3  }
0xc: {  	[smem:$0x3FAF] =	sst s4  }
0xd: {  	[smem:$0x3FB0] =	sst s5  }
0xe: {  	[smem:$0x3FB1] =	sst s6  }
0xf: {  	[smem:$0x3FB2] =	sst s7  }
0x10: {  	[smem:$0x3FB3] =	sst s8  }
0x11: {  	[smem:$0x3FB4] =	sst s9;
	s0 =	simm.s32 @!p0 $0x0  }
0x12: {  	s1 =	sld [smem:$0x3F9A];
	s0 =	simm.s32 @p0 $0x1  }
0x13: {  	[smem:$0x3FB5] =	sst s0;
	s0 =	simm.s32 @!p1 $0x0  }
0x14: {  	s2 =	sld [smem:$0x3F99];
	s0 =	simm.s32 @p1 $0x1  }
0x15: {  	[smem:$0x3FB6] =	sst s0;
	s0 =	simm.s32 @!p2 $0x0  }
0x16: {  	s3 =	sld [smem:$0x3FDB];
	s0 =	simm.s32 @p2 $0x1  }
0x17: {  	s4 =	simm.s32 $0x1BF5;
	[smem:$0x3FB8] =	sst s0  }
0x18: {  	s0 =	sld [smem:$0x3F9B];
	_ =	swait.ge [sflag:s4], $0x0  }
0x19: {  	s7 =	sld [smem:$0x3F9C]  }
0x1a: {  	s8 =	sadd.s32 $0xFFFFE003, lr  }
0x1b: {  	s9 =	sadd.s32 $0xFFFFFEF7, lr;
	s5 =	simm.s32 $0xFFFFFFFF;
	p2 =	slt.u32 s8, $0xFFFFF086  }
0x1c: {  	p1 =	slt.u32 s9, $0xF7A;
	s5 =	simm.s32 @!p2 $0x0  }
0x1d: {  	s5 =	simm.s32 @p1 $0x1;
	p0 =	seq.s32 s7, s2  }
0x1e: {  	s7 =	smul.u32 @!p0 $0xF7A, s2;
	p2 =	seq.s32 @!p0 s5, $0x0  }
0x1f: {  	s9 =	smul.u32 $0xF7A, s1;
	s8 =	simm.s32 @!p0 $0x1BF5;
	p2 =	por !p2, p0  }
0x20: {  	[sflag:s8] =	ssyncset.s32 @!p0 $0xFFFFF086;
	s6 =	sadd.s32 @!p0 s3, s7;
	s7 =	simm.s32 @!p0 $0x108  }
0x21: {  	s3 =	sadd.s32 s3, s9;
	s6 =	sadd.s32 @!p0 $0x88, s6;
	s7 =	simm.s32 @p2 $0x1082  }
0x22: {  	[simem:s7], [sflag:s8] =	dma.local @!p0 [hbm:s6], $0xF7A  }
0x23: {  	s9 =	sor.u32 $0xD0000000, s2;
	s6 =	simm.s32 $0x108;
	_ =	swait.ge @!p0 [sflag:s8], $0x0  }
0x24: {  	s3 =	sadd.s32 $0x88, s3;
	s6 =	simm.s32 @!p1 $0x1082;
	[sflag:s4] =	ssyncset.s32 $0xFFFFF086  }
0x25: {  	[simem:s6], [sflag:s4] =	dma.local [hbm:s3], $0xF7A  }
0x26: {  	[smem:$0x3F9C] =	sst s1;
	(tag) =	ssettag s2;
	_ =	strace s9  }
0x27: {  	s1 =	sld [smem:$0x3FAC]  }
0x28: {  	s2 =	sld [smem:$0x3FAD]  }
0x29: {  	s4 =	sld [smem:$0x3FAF]  }
0x2a: {  	p0 =	seq.s32 s5, $0x0;
	s5 =	sld [smem:$0x3FB0]  }
0x2b: {  	s6 =	sld [smem:$0x3FB1]  }
0x2c: {  	s7 =	sld [smem:$0x3FB2]  }
0x2d: {  	s3 =	simm.s32 $0x108;
	s8 =	sld [smem:$0x3FB3]  }
0x2e: {  	s3 =	simm.s32 @!p0 $0x1082;
	s9 =	sld [smem:$0x3FB4]  }
0x2f: {  	lr =	sadd.s32 s0, s3;
	s0 =	sld [smem:$0x3FAB]  }
0x30: {  	s3 =	sld [smem:$0x3FAE]  }
0x31: {  	[smem:$0x3FB7] =	sst s10  }
0x32: {  	s10 =	sld [smem:$0x3FB5];
	_ =	sdelay $0x3  }
0x33: {  	p0 =	seq.s32 s10, $0x1;
	s10 =	sld [smem:$0x3FB7];
	_ =	sdelay $0x3  }
0x34: {  	[smem:$0x3FB7] =	sst s10  }
0x35: {  	s10 =	sld [smem:$0x3FB6];
	_ =	sdelay $0x3  }
0x36: {  	p1 =	seq.s32 s10, $0x1;
	s10 =	sld [smem:$0x3FB7];
	_ =	sdelay $0x3  }
0x37: {  	[smem:$0x3FB7] =	sst s10  }
0x38: {  	s10 =	sld [smem:$0x3FB8]  }
0x39: {  	_ = 	snop;
	(pc) =	sbr.ind lr, $3  }
0x3a: {  	_ = 	snop  }
0x3b: {  	_ = 	snop  }
0x3c: {  	p2 =	seq.s32 s10, $0x1;
	s10 =	sld [smem:$0x3FB7]  }
0x3d: {  	_ =	shalt  }
0x3e: {  	_ =	shalt  }
0x3f: {  	_ =	shalt  }
0x40: {  	_ =	shalt  }
0x41: {  	_ =	shalt  }
0x42: {  	_ =	shalt  }
0x43: {  	_ =	shalt  }
0x44: {  	_ =	shalt  }
0x45: {  	_ =	shalt  }
0x46: {  	_ =	shalt  }
0x47: {  	_ =	shalt  }
0x48: {  	_ =	shalt  }
0x49: {  	_ =	shalt  }
0x4a: {  	_ =	shalt  }
0x4b: {  	_ =	shalt  }
0x4c: {  	_ =	shalt  }
0x4d: {  	_ =	shalt  }
0x4e: {  	_ =	shalt  }
0x4f: {  	_ =	shalt  }
0x50: {  	_ =	shalt  }
0x51: {  	_ =	shalt  }
0x52: {  	_ =	shalt  }
0x53: {  	_ =	shalt  }
0x54: {  	_ =	shalt  }
0x55: {  	_ =	shalt  }
0x56: {  	_ =	shalt  }
0x57: {  	_ =	shalt  }
0x58: {  	_ =	shalt  }
0x59: {  	_ =	shalt  }
0x5a: {  	_ =	shalt  }
0x5b: {  	_ =	shalt  }
0x5c: {  	_ =	shalt  }
0x5d: {  	_ =	shalt  }
0x5e: {  	_ =	shalt  }
0x5f: {  	_ =	shalt  }
0x60: {  	_ =	shalt  }
0x61: {  	_ =	shalt  }
0x62: {  	_ =	shalt  }
0x63: {  	_ =	shalt  }
0x64: {  	_ =	shalt  }
0x65: {  	_ =	shalt  }
0x66: {  	_ =	shalt  }
0x67: {  	_ =	shalt  }
0x68: {  	_ =	shalt  }
0x69: {  	_ =	shalt  }
0x6a: {  	_ =	shalt  }
0x6b: {  	_ =	shalt  }
0x6c: {  	_ =	shalt  }
0x6d: {  	_ =	shalt  }
0x6e: {  	_ =	shalt  }
0x6f: {  	_ =	shalt  }
0x70: {  	_ =	shalt  }
0x71: {  	_ =	shalt  }
0x72: {  	_ =	shalt  }
0x73: {  	_ =	shalt  }
0x74: {  	_ =	shalt  }
0x75: {  	_ =	shalt  }
0x76: {  	_ =	shalt  }
0x77: {  	_ =	shalt  }
0x78: {  	_ =	shalt  }
0x79: {  	_ =	shalt  }
0x7a: {  	_ =	shalt  }
0x7b: {  	_ =	shalt  }
0x7c: {  	_ =	shalt  }
0x7d: {  	_ =	shalt  }
0x7e: {  	_ =	shalt  }
0x7f: {  	_ =	shalt  }
0x80: {  	_ =	shalt  }
0x81: {  	_ =	shalt  }
0x82: {  	_ =	shalt  }
0x83: {  	_ =	shalt  }
0x84: {  	_ =	shalt  }
0x85: {  	_ =	shalt  }
0x86: {  	_ =	shalt  }
0x87: {  	_ =	shalt  }
.Lfunc_end0:
.L_simem_size_0:
called_computation.3_lowered:
.L_overlay_start_0:
0x88: {  	s2 =	sld [smem:$0x3FD9]  }
0x89: {  	s3 =	sld [smem:$0x3FFE];
	_ =	sdelay $0x1  }
0x8a: {  	s1 =	srdreg.scid  }
0x8b: {  	s0 =	sand.u32 $0x1, s1  }
0x8c: {  	s17 =	sshll.u32 s0, $0xA;
	s2 =	sadd.s32 s3, s2  }
0x8d: {  	s2 =	sadd.s32 s2, s17  }
0x8e: {  	[smem:$0x3FC3] =	sst s2  }
0x8f: {  	_ = 	snop  }
0x90: {  	(tm) =	ssettm $0x1  }
0x91: {  	s18 =	sld [smem:$0x3FFB];
	_ =	sdelay $0x3  }
0x92: {  	_ =	strace s18  }
0x93: {  	s2 =	sld [smem:$0x3FFC];
	_ =	sdelay $0x3  }
0x94: {  	_ =	strace s2  }
0x95: {  	s2 =	sld [smem:$0x3FFD];
	_ =	sdelay $0x3  }
0x96: {  	_ =	strace s2  }
0x97: {  	_ =	strace $0x8FFFFFFF  }
0x98: {  	s19 =	sld [smem:$0x3FDB];
	_ =	sdelay $0x1  }
0x99: {  	s20 =	simm.s32 $_scs_section_size  }
0x9a: {  	s4 =	simm.s32 $_size__tile_overlayer_lowered;
	s5 =	simm.s32 $_tile_overlayer_lowered  }
0x9b: {  	s6 =	simm.s32 $0x1BFF;
	s21 =	sshll.u32 s5, $0x1;
	s3 =	sadd.s32 s20, s19  }
0x9c: {  	s22 =	simm.s32 $0x0;
	s4 =	sshll.u32 s4, $0x1;
	s5 =	sadd.s32 s21, s3  }
0x9d: {  	[timem:s22], [sflag:s6] =	dma.local [hbm:s5], s4  }
0x9e: {  	_ =	swait.ge [sflag:s6], s4  }
0x9f: {  	s4 =	ssub.s32 $0x0, s4;
	[sflag:s6] =	ssyncset.done $0x0  }
0xa0: {  	[sflag:s6] =	ssyncadd.s32 s4;
	_ =	sdelay $0x1  }
0xa1: {  	s23 =	simm.s32 $0x1B8B  }
0xa2: {  	_ =	swait.ge [sflag:s23], $0x1  }
0xa3: {  	[sflag:s23] =	ssyncset.done $0x0  }
0xa4: {  	[sflag:s23] =	ssyncadd.s32 $0xFFFFFFFF  }
0xa5: {  	s4 =	sld [smem:$0x0]  }
0xa6: {  	s5 =	sand.u32 $0xFFFFFFFE, s1  }
0xa7: {  	p0 =	sne.s32 s1, s5  }
0xa8: {  	s5 =	sshll.u32 @p0 s5, $0xE  }
0xa9: {  	s5 =	sadd.s32 @p0 $0x11B8D, s5;
	s6 =	sshll.u32 @p0 s4, $0x11  }
0xaa: {  	s5 =	sor.u32 @p0 s6, s5  }
0xab: {  	[sflag:s5] =	ssyncadd.remote.s32 @p0 $0x1;
	_ =	sdelay $0x1  }
0xac: {  	s5 =	simm.s32 @p0 $0x1B8D  }
0xad: {  	_ =	swait.eq @p0 [sflag:s5], $0x1  }
0xae: {  	[sflag:s5] =	ssyncadd.s32 @p0 $0xFFFFFFFF  }
0xaf: {  	s6 =	sshll.u32 @!p0 s1, $0xE  }
0xb0: {  	s6 =	sor.u32 @!p0 $0x4000, s6;
	s5 =	simm.s32 @!p0 $0x1B8D  }
0xb1: {  	s4 =	sshll.u32 @!p0 s4, $0x11;
	s6 =	sadd.s32 @!p0 $0x11B8D, s6;
	_ =	swait.eq @!p0 [sflag:s5], $0x1  }
0xb2: {  	s4 =	sor.u32 @!p0 s4, s6;
	[sflag:s5] =	ssyncadd.s32 @!p0 $0xFFFFFFFF  }
0xb3: {  	s25 =	simm.s32 $0x1B8E;
	s24 =	sld [smem:$0x3FFE];
	[sflag:s4] =	ssyncadd.remote.s32 @!p0 $0x1  }
0xb4: {  	s26 =	simm.s32 $execute0_lowered;
	[smem:$0x3FD2] =	sst s25  }
0xb5: {  	s5 =	sshll.u32 s26, $0x1;
	_ =	strace $0x80000055;
	[dreg:$0x1] =	wrdreg $0xFFFFFFFF  }
0xb6: {  	s28 =	simm.s32 $_size_execute0_lowered;
	s3 =	sadd.s32 s3, s5;
	[dreg:$0x0] =	wrdreg $0x0  }
0xb7: {  	s5 =	sshll.u32 s28, $0x1;
	[dreg:$0x2] =	wrdreg s3  }
0xb8: {  	[dreg:$0x3] =	wrdreg s5  }
0xb9: {  	[dreg:$0x4] =	wrdreg $0xC0  }
0xba: {  	_ =	task [dreg:s22], $0x5FFFF  }
0xbb: {  	[dreg:$0x1] =	wrdreg $0xFFFFFFFF  }
0xbc: {  	[dreg:$0x0] =	wrdreg $0x60  }
0xbd: {  	[dreg:$0x2] =	wrdreg s24  }
0xbe: {  	[dreg:$0x3] =	wrdreg $0x9  }
0xbf: {  	_ =	task.clear_ibuf [dreg:s22], $0x4FFFF;
	_ =	strace $0x90000055  }
0xc0: {  	s29 =	simm.s32 $0x9;
	_ =	strace $0x80000057  }
0xc1: {  	_ =	swait.ge [sflag:s29], $0x1  }
0xc2: {  	[sflag:s29] =	ssyncadd.s32 $0xFFFFFFFF  }
0xc3: {  	_ =	strace $0x90000057  }
0xc4: {  	_ =	sfence  }
0xc5: {  	s30 =	sld [smem:$0x0];
	_ =	sdelay $0x2  }
0xc6: {  	s31 =	sshll.u32 s1, $0xD;
	s1 =	sshrl.u32 s1, $0x2  }
0xc7: {  	s4 =	sand.u32 $0x4000, s31;
	s1 =	sadd.s32 s1, s30  }
0xc8: {  	s0 =	sor.u32 s4, s0;
	s1 =	sshll.u32 s1, $0x11  }
0xc9: {  	s0 =	sor.u32 s1, s0  }
0xca: {  	s0 =	sadd.s32 $0x8F2B, s0  }
0xcb: {  	[sflag:s0] =	ssyncadd.remote.s32 $0x1  }
0xcc: {  	_ =	sfence.sel $0xFFFF  }
0xcd: {  	[dreg:$0x0] =	wrdreg $0xFFFFFFFF;
	(pc) =	sbr.abs _section_cstart, $3  }
0xce: {  	[dreg:$0x1] =	wrdreg $0xFFFFFFFF  }
0xcf: {  	_ =	task.clear_ibuf [dreg:s22], $0x2FFFF;
	_ =	strace $0x9FFFFFFF  }
0xd0: {  	(tm) =	ssettm $0x7FFFFFFF  }
0xd1: {  	_ =	shalt  }
tec
execute0_lowered:
.L_overlay_start_1:
0x0: {  	(tag) =	ssettag $0x1  }
0x1: {  	s0 =	srdreg.scid  }
0x2: {  	s1 =	sshll.u32 s0, $0x4  }
0x3: {  	s0 =	stileid.u32;
	s1 =	sand.u32 $0x10, s1  }
0x4: {  	s1 =	sor.u32 s0, s1  }
0x5: {  	s2 =	smul.u32 $0xF, s1  }
0x6: {  	s3 =	smin.u32 s1, $0x14  }
0x7: {  	s2 =	sadd.s32 s3, s2  }
0x8: {  	p0 =	slt.u32 s1, $0x14;
	s1 =	simm.s32 $0x1400;
	s2 =	smul.u32 $0x140, s2  }
0x9: {  	s1 =	simm.s32 @!p0 $0x12C0  }
0xa: {  	s1 =	sadd.s32 s1, s2  }
0xb: {  	s3 =	smin.u32 s1, $0x27100  }
0xc: {  	s7 =	ssub.s32 s3, s2  }
0xd: {  	p0 =	sgt.s32 s7, $0x0  }
0xe: {  	s7 =	simm.s32 @!p0 $0x0  }
0xf: {  	s31 =	smulhi.u32 $0x66666667, s7  }
0x10: {  	s9 =	rddreg [dreg:$0x0];
	s6 =	simm.s32 $0x1;
	s11 =	simm.s32 $0x3  }
0x11: {  	s13 =	simm.s32 $0x0;
	s12 =	simm.s32 $0x0;
	s8 =	sshrl.u32 s31, $0x7  }
0x12: {  	s4 =	sadd.s32 $0xD600, s9;
	s5 =	sadd.s32 $0x3600, s9;
	s10 =	smul.u32 $0x140, s8  }
.Ltmp0:
0x13: {  	s9 =	sadd.s32 $0x524800, s9;
	s1 =	rddreg [dreg:$0x1];
	(pc) =	sbr.rel .LBB2_1-.Ltmp0, $4  }
0x14: {  	_ =	strace $0x80000056;
	p0 =	sne.s32 s7, s10;
	s10 =	simm.s32 $0x1  }
0x15: {  	[sflag:s6] =	ssyncpa.u1 $0x0;
	s7 =	simm.s32 $0x2;
	s10 =	simm.s32 @!p0 $0x0  }
0x16: {  	[sflag:s7] =	ssyncpa.u1 $0x0;
	p0 =	por $0x0, $0x0;
	s8 =	sadd.s32 s10, s8  }
0x17: {  	vm0 =	vmmov $0xff;
	vm1 =	vcmask $0x3F20;
	[sflag:s11] =	ssyncpa.u1 $0x0;
	s11 =	smov.u32 s2;
	s10 =	sadd.s32 $0x1, s8  }
.LBB2_6:
0x18: {  	[hbm:s17] =	stream.linear.scatter [tilespmem:s14], [sflag:$0x3], $0x400, $0x38;
	[tilespmem:$0x14280] =	vst v63  }
.LBB2_7:
0x19: {  	s13 =	sadd.s32 $0x140, s11  }
0x1a: {  	s15 =	smov.u32 s2;
	p2 =	slt.s32 s13, s3  }
0x1b: {  	s15 =	smov.u32 @p2 s13;
	p2 =	sne.s32 s12, s10  }
.Ltmp1:
0x1c: {  	p1 =	slt.u32 s12, $0x2;
	(pc) =	sbr.rel @!p2 .LBB2_8-.Ltmp1, $4  }
0x1d: {  	s14 =	simm.s32 @!p1 $0x3  }
0x1e: {  	s16 =	sadd.s32 $0x1, s12;
	_ =	swait.ge @!p1 [sflag:s14], $0xA000  }
0x1f: {  	p0 =	por !p0, !p0;
	s13 =	smov.u32 s11;
	[sflag:s14] =	ssyncset.done @!p1 $0x0  }
0x20: {  	s12 =	smov.u32 s16;
	s11 =	smov.u32 s15;
	[sflag:s14] =	ssyncadd.s32 @!p1 $0xFFFF6000  }
.LBB2_1:
0x21: {  	p1 =	sge.u32 s12, s8  }
0x22: {  	s14 =	sxor.u32 @!p1 $0xFFFFFFFF, s12  }
0x23: {  	s14 =	sand.u32 @!p1 $0x1, s14  }
0x24: {  	s14 =	smul.u32 @!p1 $0x500, s14  }
0x25: {  	s31 =	sadd.s32 $0xFFFFFFFF, s12;
	s15 =	sshrl.u32 @!p1 s11, $0x3  }
0x26: {  	s16 =	sand.u32 @!p1 $0x7, s11;
	s15 =	sadd.s32 @!p1 s5, s15;
	s14 =	sshrl.u32 @!p1 s14, $0x2  }
0x27: {  	[tilespmem:s14], [sflag:$0x2] =	stream.linear.gather @!p1 [hbm4b:s15+s16], $0x140, $0x38;
	[tilespmem:$0x14280] =	vst v63  }
0x28: {  	p1 =	sge.u32 s31, s8  }
.Ltmp2:
0x29: {  	_ = 	snop;
	(pc) =	sbr.rel @p1 .LBB2_7-.Ltmp2, $1  }
0x2a: {  	_ =	sdelay $0x3  }
0x2b: {  	s14 =	simm.s32 $0x1  }
0x2c: {  	s14 =	simm.s32 @!p0 $0x0  }
0x2d: {  	s15 =	smul.u32 $0x500, s14  }
0x2e: {  	_ =	swait.ge [sflag:s7], $0x140  }
0x2f: {  	[sflag:s7] =	ssyncset.done $0x0;
	s16 =	sshrl.u32 s15, $0x2  }
0x30: {  	[sflag:s7] =	ssyncadd.s32 $0xFFFFFEC0;
	s15 =	sadd.s32 $0x0, s16  }
0x31: {  	v0 =	vld.msk [tilespmem:s15+$0x0 ss:$0x1], $0xffff;
	_ =	sdelay $0x4  }
0x32: {  	vm2 =	vgt.s32 v0, $0x0  }
0x33: {  	v0 =	vnsel vm2, $0x0, v0  }
0x34: {  	v0 =	vmin.u32 v0, $0x270FF  }
0x35: {  	v0 =	vshll.u32 v0, $0x4  }
0x36: {  	s14 =	smul.u32 $0x28000, s14;
	_ =	sdelay $0x1  }
0x37: {  	s14 =	sshrl.u32 s14, $0x2  }
0x38: {  	s14 =	sor.u32 $0x280, s14  }
0x39: {  	[tilespmem:s14], [sflag:$0x1] =	stream.indirect_vreg.gather [hbm:s4], $0x80, v0, vm0, $0x38;
	[tilespmem:$0x14280] =	vst v63  }
0x3a: {  	s17 =	sadd.s32 $0x10, s16;
	s15 =	sadd.s32 $0x400, s14  }
0x3b: {  	[tilespmem:s15], [sflag:$0x1] =	stream.indirect_vreg.gather [hbm:s4], $0x80, v0, vm1, $0x38;
	[tilespmem:$0x14280] =	vst v63  }
0x3c: {  	s18 =	simm.s32 $0x80;
	v0 =	vld.msk [tilespmem:s17+$0x0 ss:$0x1], $0xffff;
	s17 =	smov.u32 s14  }
.LBB2_3:
0x3d: {  	p1 =	sne.s32 s18, $0x4C0;
	_ =	sdelay $0x4  }
0x3e: {  	vm2 =	vgt.s32 v0, $0x0  }
0x3f: {  	v0 =	vnsel vm2, $0x0, v0  }
0x40: {  	v0 =	vmin.u32 v0, $0x270FF  }
0x41: {  	v0 =	vshll.u32 v0, $0x4;
	_ =	sdelay $0x3  }
.Ltmp3:
0x42: {  	s19 =	sshra.s32 s18, $0x2;
	s17 =	sadd.s32 $0x800, s17;
	(pc) =	sbr.rel @p1 .LBB2_3-.Ltmp3, $4  }
0x43: {  	[tilespmem:s17], [sflag:$0x1] =	stream.indirect_vreg.gather [hbm:s4], $0x80, v0, vm0, $0x38;
	[tilespmem:$0x14280] =	vst v63  }
0x44: {  	s19 =	sadd.s32 s19, s16;
	s20 =	sadd.s32 $0x400, s17  }
0x45: {  	[tilespmem:s20], [sflag:$0x1] =	stream.indirect_vreg.gather [hbm:s4], $0x80, v0, vm1, $0x38;
	[tilespmem:$0x14280] =	vst v63  }
0x46: {  	s18 =	sadd.s32 $0x40, s18;
	v0 =	vld.msk [tilespmem:s19+$0x0 ss:$0x1], $0xffff  }
0x47: {  	_ =	sdelay $0x3  }
0x48: {  	vm2 =	vgt.s32 v0, $0x0  }
0x49: {  	v0 =	vnsel vm2, $0x0, v0  }
0x4a: {  	v0 =	vmin.u32 v0, $0x270FF  }
0x4b: {  	v0 =	vshll.u32 v0, $0x4;
	_ =	sdelay $0x3  }
0x4c: {  	s16 =	sadd.s32 $0x800, s17  }
0x4d: {  	[tilespmem:s16], [sflag:$0x1] =	stream.indirect_vreg.gather [hbm:s4], $0x80, v0, vm0, $0x38;
	[tilespmem:$0x14280] =	vst v63  }
0x4e: {  	s16 =	sadd.s32 $0x400, s16  }
0x4f: {  	[tilespmem:s16], [sflag:$0x1] =	stream.indirect_vreg.gather [hbm:s4], $0x80, v0, vm1, $0x38;
	[tilespmem:$0x14280] =	vst v63  }
0x50: {  	s13 =	sshll.u32 s13, $0x4;
	_ =	swait.ge [sflag:s6], $0xA000  }
0x51: {  	s13 =	sadd.s32 s13, s9;
	[sflag:s6] =	ssyncset.done $0x0  }
0x52: {  	s17 =	sadd.s32 $0x0, s13;
	s16 =	simm.s32 $0x80;
	[sflag:s6] =	ssyncadd.s32 $0xFFFF6000  }
.LBB2_5:
0x53: {  	[hbm:s17] =	stream.linear.scatter [tilespmem:s14], [sflag:$0x3], $0x400, $0x38;
	[tilespmem:$0x14280] =	vst v63  }
0x54: {  	s17 =	smov.u32 s16;
	s14 =	smov.u32 s15;
	p1 =	sne.s32 s16, $0x1380  }
.Ltmp4:
0x55: {  	s16 =	sadd.s32 $0x80, s16;
	(pc) =	sbr.rel @p1 .LBB2_5-.Ltmp4, $2  }
0x56: {  	_ =	sdelay $0x2  }
0x57: {  	s15 =	sadd.s32 $0x400, s15;
	s17 =	sadd.s32 s17, s13  }
.Ltmp5:
0x58: {  	_ = 	snop;
	(pc) =	sbr.rel .LBB2_6-.Ltmp5, $1  }
0x59: {  	_ =	sdelay $0x3  }
.LBB2_8:
0x5a: {  	_ =	sfence.sel $0x180000  }
0x5b: {  	s2 =	simm.s32 $0x2;
	[bflag:$0x0] =	sbarrier.arrive $0xFFFF  }
0x5c: {  	s30 =	simm.s32 $0x3;
	[sflag:s2] =	ssyncpa.u1 $0x1  }
0x5d: {  	s31 =	simm.s32 $0x1;
	[sflag:s30] =	ssyncpa.u1 $0x1  }
0x5e: {  	[sflag:s31] =	ssyncpa.u1 $0x1  }
0x5f: {  	p0 =	sne.s32 s0, $0x0;
	_ =	strace $0x90000056  }
0x60: {  	s0 =	sadd.s32 @!p0 $0x100000, s1;
	[bflag:$0x2] =	sbarrier.arrive $0xFFFF  }
0x61: {  	[sflag:s0] =	ssyncadd.tile.s32 @!p0 $0x1;
	_ =	shalt  }
.Lfunc_end2:
_tile_overlayer_lowered:
.L_overlay_start_2:
0x62: {  	(tag) =	ssettag $0x2  }
0x63: {  	s0 =	rddreg [dreg:$0x0];
	s2 =	stileid.u32  }
0x64: {  	s1 =	rddreg [dreg:$0x1];
	p0 =	sne.s32 s2, $0x0  }
0x65: {  	s3 =	rddreg [dreg:$0x2];
	[bflag:$0x3] =	sbarrier.arrive $0xFFFF;
	s2 =	simm.s32 @!p0 $0x1C01  }
0x66: {  	[timem:s3], [sflag:s2] =	dma.local @!p0 [hbm:s0], s1  }
0x67: {  	s0 =	simm.s32 @!p0 $0x1  }
0x68: {  	_ =	swait.ge @!p0 [sflag:s0], s1  }
0x69: {  	s1 =	ssub.s32 @!p0 $0x0, s1;
	[sflag:s0] =	ssyncset.done @!p0 $0x0  }
0x6a: {  	[sflag:s0] =	ssyncadd.s32 @!p0 s1  }
0x6b: {  	[bflag:$0x3] =	sbarrier.arrive $0xFFFF  }
0x6c: {  	_ =	shalt  }

// kernel: gather_offload_async_start.3
scs
__scs_entry_jumppad:
0x0: {  	(pc) =	sbr.rel $0x88, $3  }
0x1: {  	(tag) =	ssettag $0x0;
	lr =	simm.s32 $0x1  }
0x2: {  	[smem:$0x3F9C] =	sst lr;
	_ =	strace $0xD0000000  }
0x3: {  	_ = 	snop  }
0x4: {  	_ = 	snop  }
0x5: {  	_ = 	snop  }
0x6: {  	_ = 	snop  }
0x7: {  	_ = 	snop  }
__scs_overlays_trampoline_lowered:
0x8: {  	[smem:$0x3FAB] =	sst s0  }
0x9: {  	[smem:$0x3FAC] =	sst s1  }
0xa: {  	[smem:$0x3FAD] =	sst s2  }
0xb: {  	[smem:$0x3FAE] =	sst s3  }
0xc: {  	[smem:$0x3FAF] =	sst s4  }
0xd: {  	[smem:$0x3FB0] =	sst s5  }
0xe: {  	[smem:$0x3FB1] =	sst s6  }
0xf: {  	[smem:$0x3FB2] =	sst s7  }
0x10: {  	[smem:$0x3FB3] =	sst s8  }
0x11: {  	[smem:$0x3FB4] =	sst s9;
	s0 =	simm.s32 @!p0 $0x0  }
0x12: {  	s1 =	sld [smem:$0x3F9A];
	s0 =	simm.s32 @p0 $0x1  }
0x13: {  	[smem:$0x3FB5] =	sst s0;
	s0 =	simm.s32 @!p1 $0x0  }
0x14: {  	s2 =	sld [smem:$0x3F99];
	s0 =	simm.s32 @p1 $0x1  }
0x15: {  	[smem:$0x3FB6] =	sst s0;
	s0 =	simm.s32 @!p2 $0x0  }
0x16: {  	s3 =	sld [smem:$0x3FDB];
	s0 =	simm.s32 @p2 $0x1  }
0x17: {  	s4 =	simm.s32 $0x1BF5;
	[smem:$0x3FB8] =	sst s0  }
0x18: {  	s0 =	sld [smem:$0x3F9B];
	_ =	swait.ge [sflag:s4], $0x0  }
0x19: {  	s7 =	sld [smem:$0x3F9C]  }
0x1a: {  	s8 =	sadd.s32 $0xFFFFE003, lr  }
0x1b: {  	s9 =	sadd.s32 $0xFFFFFEF7, lr;
	s5 =	simm.s32 $0xFFFFFFFF;
	p2 =	slt.u32 s8, $0xFFFFF086  }
0x1c: {  	p1 =	slt.u32 s9, $0xF7A;
	s5 =	simm.s32 @!p2 $0x0  }
0x1d: {  	s5 =	simm.s32 @p1 $0x1;
	p0 =	seq.s32 s7, s2  }
0x1e: {  	s7 =	smul.u32 @!p0 $0xF7A, s2;
	p2 =	seq.s32 @!p0 s5, $0x0  }
0x1f: {  	s9 =	smul.u32 $0xF7A, s1;
	s8 =	simm.s32 @!p0 $0x1BF5;
	p2 =	por !p2, p0  }
0x20: {  	[sflag:s8] =	ssyncset.s32 @!p0 $0xFFFFF086;
	s6 =	sadd.s32 @!p0 s3, s7;
	s7 =	simm.s32 @!p0 $0x108  }
0x21: {  	s3 =	sadd.s32 s3, s9;
	s6 =	sadd.s32 @!p0 $0x88, s6;
	s7 =	simm.s32 @p2 $0x1082  }
0x22: {  	[simem:s7], [sflag:s8] =	dma.local @!p0 [hbm:s6], $0xF7A  }
0x23: {  	s9 =	sor.u32 $0xD0000000, s2;
	s6 =	simm.s32 $0x108;
	_ =	swait.ge @!p0 [sflag:s8], $0x0  }
0x24: {  	s3 =	sadd.s32 $0x88, s3;
	s6 =	simm.s32 @!p1 $0x1082;
	[sflag:s4] =	ssyncset.s32 $0xFFFFF086  }
0x25: {  	[simem:s6], [sflag:s4] =	dma.local [hbm:s3], $0xF7A  }
0x26: {  	[smem:$0x3F9C] =	sst s1;
	(tag) =	ssettag s2;
	_ =	strace s9  }
0x27: {  	s1 =	sld [smem:$0x3FAC]  }
0x28: {  	s2 =	sld [smem:$0x3FAD]  }
0x29: {  	s4 =	sld [smem:$0x3FAF]  }
0x2a: {  	p0 =	seq.s32 s5, $0x0;
	s5 =	sld [smem:$0x3FB0]  }
0x2b: {  	s6 =	sld [smem:$0x3FB1]  }
0x2c: {  	s7 =	sld [smem:$0x3FB2]  }
0x2d: {  	s3 =	simm.s32 $0x108;
	s8 =	sld [smem:$0x3FB3]  }
0x2e: {  	s3 =	simm.s32 @!p0 $0x1082;
	s9 =	sld [smem:$0x3FB4]  }
0x2f: {  	lr =	sadd.s32 s0, s3;
	s0 =	sld [smem:$0x3FAB]  }
0x30: {  	s3 =	sld [smem:$0x3FAE]  }
0x31: {  	[smem:$0x3FB7] =	sst s10  }
0x32: {  	s10 =	sld [smem:$0x3FB5];
	_ =	sdelay $0x3  }
0x33: {  	p0 =	seq.s32 s10, $0x1;
	s10 =	sld [smem:$0x3FB7];
	_ =	sdelay $0x3  }
0x34: {  	[smem:$0x3FB7] =	sst s10  }
0x35: {  	s10 =	sld [smem:$0x3FB6];
	_ =	sdelay $0x3  }
0x36: {  	p1 =	seq.s32 s10, $0x1;
	s10 =	sld [smem:$0x3FB7];
	_ =	sdelay $0x3  }
0x37: {  	[smem:$0x3FB7] =	sst s10  }
0x38: {  	s10 =	sld [smem:$0x3FB8]  }
0x39: {  	_ = 	snop;
	(pc) =	sbr.ind lr, $3  }
0x3a: {  	_ = 	snop  }
0x3b: {  	_ = 	snop  }
0x3c: {  	p2 =	seq.s32 s10, $0x1;
	s10 =	sld [smem:$0x3FB7]  }
0x3d: {  	_ =	shalt  }
0x3e: {  	_ =	shalt  }
0x3f: {  	_ =	shalt  }
0x40: {  	_ =	shalt  }
0x41: {  	_ =	shalt  }
0x42: {  	_ =	shalt  }
0x43: {  	_ =	shalt  }
0x44: {  	_ =	shalt  }
0x45: {  	_ =	shalt  }
0x46: {  	_ =	shalt  }
0x47: {  	_ =	shalt  }
0x48: {  	_ =	shalt  }
0x49: {  	_ =	shalt  }
0x4a: {  	_ =	shalt  }
0x4b: {  	_ =	shalt  }
0x4c: {  	_ =	shalt  }
0x4d: {  	_ =	shalt  }
0x4e: {  	_ =	shalt  }
0x4f: {  	_ =	shalt  }
0x50: {  	_ =	shalt  }
0x51: {  	_ =	shalt  }
0x52: {  	_ =	shalt  }
0x53: {  	_ =	shalt  }
0x54: {  	_ =	shalt  }
0x55: {  	_ =	shalt  }
0x56: {  	_ =	shalt  }
0x57: {  	_ =	shalt  }
0x58: {  	_ =	shalt  }
0x59: {  	_ =	shalt  }
0x5a: {  	_ =	shalt  }
0x5b: {  	_ =	shalt  }
0x5c: {  	_ =	shalt  }
0x5d: {  	_ =	shalt  }
0x5e: {  	_ =	shalt  }
0x5f: {  	_ =	shalt  }
0x60: {  	_ =	shalt  }
0x61: {  	_ =	shalt  }
0x62: {  	_ =	shalt  }
0x63: {  	_ =	shalt  }
0x64: {  	_ =	shalt  }
0x65: {  	_ =	shalt  }
0x66: {  	_ =	shalt  }
0x67: {  	_ =	shalt  }
0x68: {  	_ =	shalt  }
0x69: {  	_ =	shalt  }
0x6a: {  	_ =	shalt  }
0x6b: {  	_ =	shalt  }
0x6c: {  	_ =	shalt  }
0x6d: {  	_ =	shalt  }
0x6e: {  	_ =	shalt  }
0x6f: {  	_ =	shalt  }
0x70: {  	_ =	shalt  }
0x71: {  	_ =	shalt  }
0x72: {  	_ =	shalt  }
0x73: {  	_ =	shalt  }
0x74: {  	_ =	shalt  }
0x75: {  	_ =	shalt  }
0x76: {  	_ =	shalt  }
0x77: {  	_ =	shalt  }
0x78: {  	_ =	shalt  }
0x79: {  	_ =	shalt  }
0x7a: {  	_ =	shalt  }
0x7b: {  	_ =	shalt  }
0x7c: {  	_ =	shalt  }
0x7d: {  	_ =	shalt  }
0x7e: {  	_ =	shalt  }
0x7f: {  	_ =	shalt  }
0x80: {  	_ =	shalt  }
0x81: {  	_ =	shalt  }
0x82: {  	_ =	shalt  }
0x83: {  	_ =	shalt  }
0x84: {  	_ =	shalt  }
0x85: {  	_ =	shalt  }
0x86: {  	_ =	shalt  }
0x87: {  	_ =	shalt  }
.Lfunc_end0:
.L_simem_size_0:
called_computation.4_lowered:
.L_overlay_start_0:
0x88: {  	s2 =	sld [smem:$0x3FD9]  }
0x89: {  	s3 =	sld [smem:$0x3FFE];
	_ =	sdelay $0x1  }
0x8a: {  	s1 =	srdreg.scid  }
0x8b: {  	s0 =	sand.u32 $0x1, s1  }
0x8c: {  	s16 =	sshll.u32 s0, $0xA;
	s2 =	sadd.s32 s3, s2  }
0x8d: {  	s2 =	sadd.s32 s2, s16  }
0x8e: {  	[smem:$0x3FC3] =	sst s2  }
0x8f: {  	_ = 	snop  }
0x90: {  	(tm) =	ssettm $0x1  }
0x91: {  	s17 =	sld [smem:$0x3FFB];
	_ =	sdelay $0x3  }
0x92: {  	_ =	strace s17  }
0x93: {  	s2 =	sld [smem:$0x3FFC];
	_ =	sdelay $0x3  }
0x94: {  	_ =	strace s2  }
0x95: {  	s2 =	sld [smem:$0x3FFD];
	_ =	sdelay $0x3  }
0x96: {  	_ =	strace s2  }
0x97: {  	_ =	strace $0x8FFFFFFF  }
0x98: {  	s18 =	sld [smem:$0x3FDB];
	_ =	sdelay $0x1  }
0x99: {  	s19 =	simm.s32 $_scs_section_size  }
0x9a: {  	s4 =	simm.s32 $_size__tile_overlayer_lowered;
	s5 =	simm.s32 $_tile_overlayer_lowered  }
0x9b: {  	s22 =	simm.s32 $0x1BFF;
	s21 =	sshll.u32 s5, $0x1;
	s2 =	sadd.s32 s19, s18  }
0x9c: {  	s6 =	simm.s32 $0x0;
	s20 =	sshll.u32 s4, $0x1;
	s4 =	sadd.s32 s21, s2  }
0x9d: {  	[timem:s6], [sflag:s22] =	dma.local [hbm:s4], s20  }
0x9e: {  	_ =	swait.ge [sflag:s22], s20  }
0x9f: {  	s3 =	ssub.s32 $0x0, s20;
	[sflag:s22] =	ssyncset.done $0x0  }
0xa0: {  	[sflag:s22] =	ssyncadd.s32 s3;
	_ =	sdelay $0x1  }
0xa1: {  	s23 =	simm.s32 $0x1B8B  }
0xa2: {  	_ =	swait.ge [sflag:s23], $0x1  }
0xa3: {  	[sflag:s23] =	ssyncset.done $0x0  }
0xa4: {  	s25 =	simm.s32 $0x1B8E;
	s24 =	sld [smem:$0x3FFE];
	[sflag:s23] =	ssyncadd.s32 $0xFFFFFFFF  }
0xa5: {  	s26 =	simm.s32 $execute0_lowered;
	[smem:$0x3FD2] =	sst s25  }
0xa6: {  	s4 =	sshll.u32 s26, $0x1;
	_ =	strace $0x8000004F;
	[dreg:$0x1] =	wrdreg $0xFFFFFFFF  }
0xa7: {  	s28 =	simm.s32 $_size_execute0_lowered;
	s2 =	sadd.s32 s2, s4;
	[dreg:$0x0] =	wrdreg $0x0  }
0xa8: {  	s4 =	sshll.u32 s28, $0x1;
	[dreg:$0x2] =	wrdreg s2  }
0xa9: {  	[dreg:$0x3] =	wrdreg s4  }
0xaa: {  	[dreg:$0x4] =	wrdreg $0xC0  }
0xab: {  	_ =	task [dreg:s6], $0x5FFFF  }
0xac: {  	[dreg:$0x1] =	wrdreg $0xFFFFFFFF  }
0xad: {  	[dreg:$0x0] =	wrdreg $0x60  }
0xae: {  	[dreg:$0x2] =	wrdreg s24  }
0xaf: {  	[dreg:$0x3] =	wrdreg $0xA  }
0xb0: {  	_ =	task.clear_ibuf [dreg:s6], $0x4FFFF;
	_ =	strace $0x9000004F  }
0xb1: {  	s29 =	simm.s32 $0xA;
	_ =	strace $0x80000051  }
0xb2: {  	_ =	swait.ge [sflag:s29], $0x1  }
0xb3: {  	[sflag:s29] =	ssyncadd.s32 $0xFFFFFFFF  }
0xb4: {  	_ =	strace $0x90000051  }
0xb5: {  	_ =	sfence  }
0xb6: {  	s30 =	sld [smem:$0x0];
	_ =	sdelay $0x2  }
0xb7: {  	s31 =	sshll.u32 s1, $0xD;
	s1 =	sshrl.u32 s1, $0x2  }
0xb8: {  	s3 =	sand.u32 $0x4000, s31;
	s1 =	sadd.s32 s1, s30  }
0xb9: {  	s0 =	sor.u32 s3, s0;
	s1 =	sshll.u32 s1, $0x11  }
0xba: {  	s0 =	sor.u32 s1, s0  }
0xbb: {  	s0 =	sadd.s32 $0x8F2B, s0  }
0xbc: {  	[sflag:s0] =	ssyncadd.remote.s32 $0x1  }
0xbd: {  	_ =	sfence.sel $0xFFFF  }
0xbe: {  	[dreg:$0x0] =	wrdreg $0xFFFFFFFF;
	(pc) =	sbr.abs _section_cstart, $3  }
0xbf: {  	[dreg:$0x1] =	wrdreg $0xFFFFFFFF  }
0xc0: {  	_ =	task.clear_ibuf [dreg:s6], $0x2FFFF;
	_ =	strace $0x9FFFFFFF  }
0xc1: {  	(tm) =	ssettm $0x7FFFFFFF  }
tec
execute0_lowered:
.L_overlay_start_1:
0x0: {  	(tag) =	ssettag $0x1  }
0x1: {  	s0 =	srdreg.scid;
	s5 =	rddreg [dreg:$0x0]  }
0x2: {  	s1 =	stileid.u32;
	s6 =	simm.s32 $0x1;
	s9 =	simm.s32 $0x1  }
0x3: {  	s10 =	simm.s32 $0x3;
	s13 =	simm.s32 $0x0;
	s2 =	sshll.u32 s0, $0xA  }
0x4: {  	s12 =	simm.s32 $0x0;
	s3 =	sshll.u32 s1, $0xB;
	s2 =	sand.u32 $0x400, s2  }
0x5: {  	s0 =	rddreg [dreg:$0x1];
	_ =	strace $0x80000050;
	s2 =	sor.u32 s3, s2  }
0x6: {  	s4 =	sadd.s32 $0x1400, s5;
	[sflag:s6] =	ssyncpa.u1 $0x0;
	s8 =	ssub.s32 $0xA000, s2  }
.Ltmp0:
0x7: {  	s3 =	sadd.s32 $0x8600, s5;
	s7 =	sand.u32 $0x7C00, s8;
	(pc) =	sbr.rel .LBB2_1-.Ltmp0, $4  }
0x8: {  	s5 =	sadd.s32 $0x518200, s5;
	s11 =	smov.u32 s2;
	p0 =	sne.s32 s7, $0x0  }
0x9: {  	s8 =	sshrl.u32 s8, $0xF;
	s7 =	simm.s32 $0x2;
	s9 =	simm.s32 @!p0 $0x0  }
0xa: {  	[sflag:s7] =	ssyncpa.u1 $0x0;
	p0 =	por $0x0, $0x0;
	s8 =	sadd.s32 s9, s8  }
0xb: {  	vm0 =	vmmov $0xffff;
	[sflag:s10] =	ssyncpa.u1 $0x0;
	s10 =	simm.s32 $0x0;
	s9 =	sadd.s32 $0x1, s8  }
.LBB2_4:
0xc: {  	v2 =	vnsel vm1, $0x0, v2  }
0xd: {  	vm1 =	vgt.s32 v0, $0x0;
	v2 =	vmin.u32 v2, $0x270FF  }
0xe: {  	v0 =	vnsel vm1, $0x0, v0  }
0xf: {  	v0 =	vmin.u32 v0, $0x270FF  }
0x10: {  	[tilespmem:s15], [sflag:$0x1] =	stream.indirect_vreg.gather [hbm4b:s3+s10], $0x1, v1, vm0, $0x4038;
	[tilespmem:$0x1000] =	vst v63  }
0x11: {  	(ifvalue) =	ssetifvalue $0x7FFFFFFF  }
0x12: {  	[tilespmem:s16], [sflag:$0x1] =	stream.indirect_vreg.gather [hbm4b:s3+s10], $0x1, v2, vm0, $0x4038;
	[tilespmem:$0x1000] =	vst v63  }
0x13: {  	s29 =	sadd.s32 $0x10, s16;
	(ifvalue) =	ssetifvalue $0x7FFFFFFF  }
0x14: {  	[tilespmem:s29], [sflag:$0x1] =	stream.indirect_vreg.gather [hbm4b:s3+s10], $0x1, v0, vm0, $0x4038;
	[tilespmem:$0x1000] =	vst v63  }
0x15: {  	_ =	swait.ge [sflag:s6], $0x400  }
0x16: {  	s30 =	sshrl.u32 s13, $0x3;
	[sflag:s6] =	ssyncset.done $0x0  }
0x17: {  	s31 =	sand.u32 $0x7, s13;
	s15 =	sadd.s32 s5, s30;
	[sflag:s6] =	ssyncadd.s32 $0xFFFFFC00  }
0x18: {  	[hbm4b:s15+s31] =	stream.linear.scatter [tilespmem:s14], [sflag:$0x3], $0x400, $0x38;
	[tilespmem:$0x1000] =	vst v63  }
.LBB2_5:
0x19: {  	s15 =	sadd.s32 $0x8000, s11  }
0x1a: {  	p2 =	sgt.s32 s15, $0x9FFF  }
0x1b: {  	s15 =	smov.u32 @p2 s2;
	p2 =	sne.s32 s12, s9  }
.Ltmp1:
0x1c: {  	p1 =	slt.u32 s12, $0x2;
	(pc) =	sbr.rel @!p2 .LBB2_6-.Ltmp1, $4  }
0x1d: {  	s14 =	simm.s32 @!p1 $0x3  }
0x1e: {  	s16 =	sadd.s32 $0x1, s12;
	_ =	swait.ge @!p1 [sflag:s14], $0x400  }
0x1f: {  	s13 =	smov.u32 s11;
	p0 =	por !p0, !p0;
	[sflag:s14] =	ssyncset.done @!p1 $0x0  }
0x20: {  	s12 =	smov.u32 s16;
	s11 =	smov.u32 s15;
	[sflag:s14] =	ssyncadd.s32 @!p1 $0xFFFFFC00  }
.LBB2_1:
0x21: {  	p1 =	sge.u32 s12, s8  }
0x22: {  	s14 =	sxor.u32 @!p1 $0xFFFFFFFF, s12  }
0x23: {  	s31 =	sadd.s32 $0xFFFFFFFF, s12;
	s15 =	sshrl.u32 @!p1 s11, $0x3;
	s14 =	sshll.u32 @!p1 s14, $0xA  }
0x24: {  	s16 =	sand.u32 @!p1 $0x7, s11;
	s15 =	sadd.s32 @!p1 s4, s15;
	s14 =	sand.u32 @!p1 $0x400, s14  }
0x25: {  	[tilespmem:s14], [sflag:$0x2] =	stream.linear.gather @!p1 [hbm4b:s15+s16], $0x400, $0x38;
	[tilespmem:$0x1000] =	vst v63  }
0x26: {  	p1 =	sge.u32 s31, s8  }
.Ltmp2:
0x27: {  	_ = 	snop;
	(pc) =	sbr.rel @p1 .LBB2_5-.Ltmp2, $1  }
0x28: {  	_ =	sdelay $0x3  }
0x29: {  	s14 =	simm.s32 $0x1  }
0x2a: {  	_ =	swait.ge [sflag:s7], $0x400;
	s14 =	simm.s32 @!p0 $0x0  }
0x2b: {  	[sflag:s7] =	ssyncset.done $0x0;
	s14 =	sshll.u32 s14, $0xA  }
0x2c: {  	[sflag:s7] =	ssyncadd.s32 $0xFFFFFC00;
	(ifvalue) =	ssetifvalue $0x7FFFFFFF;
	v0 =	vld.msk [tilespmem:s14+$0x0 ss:$0x1], $0xffff;
	_ =	sdelay $0x4  }
0x2d: {  	s15 =	sadd.s32 $0x10, s14;
	vm1 =	vgt.s32 v0, $0x0  }
0x2e: {  	v2 =	vld.msk [tilespmem:s15+$0x0 ss:$0x1], $0xffff;
	v1 =	vnsel vm1, $0x0, v0  }
0x2f: {  	v1 =	vmin.u32 v1, $0x270FF;
	_ =	sdelay $0x1  }
0x30: {  	s16 =	sshll.u32 s12, $0xA;
	s18 =	simm.s32 $0x20  }
0x31: {  	s16 =	sand.u32 $0x400, s16;
	s17 =	sadd.s32 $0x10, s15;
	s15 =	sor.u32 $0x800, s14  }
0x32: {  	s14 =	sor.u32 $0x800, s16;
	s16 =	sadd.s32 $0x10, s15;
	v0 =	vld.msk [tilespmem:s17+$0x0 ss:$0x1], $0xffff;
	vm1 =	vgt.s32 v2, $0x0;
	(ifvalue) =	ssetifvalue $0x7FFFFFFF  }
.LBB2_3:
0x33: {  	[tilespmem:s15], [sflag:$0x1] =	stream.indirect_vreg.gather [hbm4b:s3+s10], $0x1, v1, vm0, $0x4038;
	[tilespmem:$0x1000] =	vst v63  }
0x34: {  	s18 =	sadd.s32 $0x10, s18  }
0x35: {  	v2 =	vnsel vm1, $0x0, v2;
	p1 =	slt.u32 s18, $0x3F0  }
.Ltmp3:
0x36: {  	s15 =	smov.u32 s16;
	v1 =	vmin.u32 v2, $0x270FF;
	(pc) =	sbr.rel @p1 .LBB2_3-.Ltmp3, $3  }
0x37: {  	_ =	sdelay $0x1  }
0x38: {  	s17 =	sadd.s32 $0x10, s17  }
0x39: {  	vm1 =	vgt.s32 v0, $0x0;
	s16 =	sadd.s32 $0x10, s16;
	v2 =	vmov v0;
	(ifvalue) =	ssetifvalue $0x7FFFFFFF;
	v0 =	vld.msk [tilespmem:s17+$0x0 ss:$0x1], $0xffff  }
.Ltmp4:
0x3a: {  	_ = 	snop;
	(pc) =	sbr.rel .LBB2_4-.Ltmp4, $1  }
0x3b: {  	_ =	sdelay $0x3  }
.LBB2_6:
0x3c: {  	_ =	sfence.sel $0x180000  }
0x3d: {  	s2 =	simm.s32 $0x2;
	[bflag:$0x0] =	sbarrier.arrive $0xFFFF  }
0x3e: {  	s30 =	simm.s32 $0x3;
	[sflag:s2] =	ssyncpa.u1 $0x1  }
0x3f: {  	s31 =	simm.s32 $0x1;
	[sflag:s30] =	ssyncpa.u1 $0x1  }
0x40: {  	[sflag:s31] =	ssyncpa.u1 $0x1  }
0x41: {  	p0 =	sne.s32 s1, $0x0;
	_ =	strace $0x90000050  }
0x42: {  	s0 =	sadd.s32 @!p0 $0x100000, s0;
	[bflag:$0x2] =	sbarrier.arrive $0xFFFF  }
0x43: {  	[sflag:s0] =	ssyncadd.tile.s32 @!p0 $0x1;
	_ =	shalt  }
.Lfunc_end2:
_tile_overlayer_lowered:
.L_overlay_start_2:
0x44: {  	(tag) =	ssettag $0x2  }
0x45: {  	s0 =	rddreg [dreg:$0x0];
	s2 =	stileid.u32  }
0x46: {  	s1 =	rddreg [dreg:$0x1];
	p0 =	sne.s32 s2, $0x0  }
0x47: {  	s3 =	rddreg [dreg:$0x2];
	[bflag:$0x3] =	sbarrier.arrive $0xFFFF;
	s2 =	simm.s32 @!p0 $0x1C01  }
0x48: {  	[timem:s3], [sflag:s2] =	dma.local @!p0 [hbm:s0], s1  }
0x49: {  	s0 =	simm.s32 @!p0 $0x1  }
0x4a: {  	_ =	swait.ge @!p0 [sflag:s0], s1  }
0x4b: {  	s1 =	ssub.s32 @!p0 $0x0, s1;
	[sflag:s0] =	ssyncset.done @!p0 $0x0  }
0x4c: {  	[sflag:s0] =	ssyncadd.s32 @!p0 s1  }
0x4d: {  	[bflag:$0x3] =	sbarrier.arrive $0xFFFF  }
0x4e: {  	_ =	shalt  }

// kernel: gather_offload_async_start.4
scs
__scs_entry_jumppad:
0x0: {  	(pc) =	sbr.rel $0x88, $3  }
0x1: {  	(tag) =	ssettag $0x0;
	lr =	simm.s32 $0x1  }
0x2: {  	[smem:$0x3F9C] =	sst lr;
	_ =	strace $0xD0000000  }
0x3: {  	_ = 	snop  }
0x4: {  	_ = 	snop  }
0x5: {  	_ = 	snop  }
0x6: {  	_ = 	snop  }
0x7: {  	_ = 	snop  }
__scs_overlays_trampoline_lowered:
0x8: {  	[smem:$0x3FAB] =	sst s0  }
0x9: {  	[smem:$0x3FAC] =	sst s1  }
0xa: {  	[smem:$0x3FAD] =	sst s2  }
0xb: {  	[smem:$0x3FAE] =	sst s3  }
0xc: {  	[smem:$0x3FAF] =	sst s4  }
0xd: {  	[smem:$0x3FB0] =	sst s5  }
0xe: {  	[smem:$0x3FB1] =	sst s6  }
0xf: {  	[smem:$0x3FB2] =	sst s7  }
0x10: {  	[smem:$0x3FB3] =	sst s8  }
0x11: {  	[smem:$0x3FB4] =	sst s9;
	s0 =	simm.s32 @!p0 $0x0  }
0x12: {  	s1 =	sld [smem:$0x3F9A];
	s0 =	simm.s32 @p0 $0x1  }
0x13: {  	[smem:$0x3FB5] =	sst s0;
	s0 =	simm.s32 @!p1 $0x0  }
0x14: {  	s2 =	sld [smem:$0x3F99];
	s0 =	simm.s32 @p1 $0x1  }
0x15: {  	[smem:$0x3FB6] =	sst s0;
	s0 =	simm.s32 @!p2 $0x0  }
0x16: {  	s3 =	sld [smem:$0x3FDB];
	s0 =	simm.s32 @p2 $0x1  }
0x17: {  	s4 =	simm.s32 $0x1BF5;
	[smem:$0x3FB8] =	sst s0  }
0x18: {  	s0 =	sld [smem:$0x3F9B];
	_ =	swait.ge [sflag:s4], $0x0  }
0x19: {  	s7 =	sld [smem:$0x3F9C]  }
0x1a: {  	s8 =	sadd.s32 $0xFFFFE003, lr  }
0x1b: {  	s9 =	sadd.s32 $0xFFFFFEF7, lr;
	s5 =	simm.s32 $0xFFFFFFFF;
	p2 =	slt.u32 s8, $0xFFFFF086  }
0x1c: {  	p1 =	slt.u32 s9, $0xF7A;
	s5 =	simm.s32 @!p2 $0x0  }
0x1d: {  	s5 =	simm.s32 @p1 $0x1;
	p0 =	seq.s32 s7, s2  }
0x1e: {  	s7 =	smul.u32 @!p0 $0xF7A, s2;
	p2 =	seq.s32 @!p0 s5, $0x0  }
0x1f: {  	s9 =	smul.u32 $0xF7A, s1;
	s8 =	simm.s32 @!p0 $0x1BF5;
	p2 =	por !p2, p0  }
0x20: {  	[sflag:s8] =	ssyncset.s32 @!p0 $0xFFFFF086;
	s6 =	sadd.s32 @!p0 s3, s7;
	s7 =	simm.s32 @!p0 $0x108  }
0x21: {  	s3 =	sadd.s32 s3, s9;
	s6 =	sadd.s32 @!p0 $0x88, s6;
	s7 =	simm.s32 @p2 $0x1082  }
0x22: {  	[simem:s7], [sflag:s8] =	dma.local @!p0 [hbm:s6], $0xF7A  }
0x23: {  	s9 =	sor.u32 $0xD0000000, s2;
	s6 =	simm.s32 $0x108;
	_ =	swait.ge @!p0 [sflag:s8], $0x0  }
0x24: {  	s3 =	sadd.s32 $0x88, s3;
	s6 =	simm.s32 @!p1 $0x1082;
	[sflag:s4] =	ssyncset.s32 $0xFFFFF086  }
0x25: {  	[simem:s6], [sflag:s4] =	dma.local [hbm:s3], $0xF7A  }
0x26: {  	[smem:$0x3F9C] =	sst s1;
	(tag) =	ssettag s2;
	_ =	strace s9  }
0x27: {  	s1 =	sld [smem:$0x3FAC]  }
0x28: {  	s2 =	sld [smem:$0x3FAD]  }
0x29: {  	s4 =	sld [smem:$0x3FAF]  }
0x2a: {  	p0 =	seq.s32 s5, $0x0;
	s5 =	sld [smem:$0x3FB0]  }
0x2b: {  	s6 =	sld [smem:$0x3FB1]  }
0x2c: {  	s7 =	sld [smem:$0x3FB2]  }
0x2d: {  	s3 =	simm.s32 $0x108;
	s8 =	sld [smem:$0x3FB3]  }
0x2e: {  	s3 =	simm.s32 @!p0 $0x1082;
	s9 =	sld [smem:$0x3FB4]  }
0x2f: {  	lr =	sadd.s32 s0, s3;
	s0 =	sld [smem:$0x3FAB]  }
0x30: {  	s3 =	sld [smem:$0x3FAE]  }
0x31: {  	[smem:$0x3FB7] =	sst s10  }
0x32: {  	s10 =	sld [smem:$0x3FB5];
	_ =	sdelay $0x3  }
0x33: {  	p0 =	seq.s32 s10, $0x1;
	s10 =	sld [smem:$0x3FB7];
	_ =	sdelay $0x3  }
0x34: {  	[smem:$0x3FB7] =	sst s10  }
0x35: {  	s10 =	sld [smem:$0x3FB6];
	_ =	sdelay $0x3  }
0x36: {  	p1 =	seq.s32 s10, $0x1;
	s10 =	sld [smem:$0x3FB7];
	_ =	sdelay $0x3  }
0x37: {  	[smem:$0x3FB7] =	sst s10  }
0x38: {  	s10 =	sld [smem:$0x3FB8]  }
0x39: {  	_ = 	snop;
	(pc) =	sbr.ind lr, $3  }
0x3a: {  	_ = 	snop  }
0x3b: {  	_ = 	snop  }
0x3c: {  	p2 =	seq.s32 s10, $0x1;
	s10 =	sld [smem:$0x3FB7]  }
0x3d: {  	_ =	shalt  }
0x3e: {  	_ =	shalt  }
0x3f: {  	_ =	shalt  }
0x40: {  	_ =	shalt  }
0x41: {  	_ =	shalt  }
0x42: {  	_ =	shalt  }
0x43: {  	_ =	shalt  }
0x44: {  	_ =	shalt  }
0x45: {  	_ =	shalt  }
0x46: {  	_ =	shalt  }
0x47: {  	_ =	shalt  }
0x48: {  	_ =	shalt  }
0x49: {  	_ =	shalt  }
0x4a: {  	_ =	shalt  }
0x4b: {  	_ =	shalt  }
0x4c: {  	_ =	shalt  }
0x4d: {  	_ =	shalt  }
0x4e: {  	_ =	shalt  }
0x4f: {  	_ =	shalt  }
0x50: {  	_ =	shalt  }
0x51: {  	_ =	shalt  }
0x52: {  	_ =	shalt  }
0x53: {  	_ =	shalt  }
0x54: {  	_ =	shalt  }
0x55: {  	_ =	shalt  }
0x56: {  	_ =	shalt  }
0x57: {  	_ =	shalt  }
0x58: {  	_ =	shalt  }
0x59: {  	_ =	shalt  }
0x5a: {  	_ =	shalt  }
0x5b: {  	_ =	shalt  }
0x5c: {  	_ =	shalt  }
0x5d: {  	_ =	shalt  }
0x5e: {  	_ =	shalt  }
0x5f: {  	_ =	shalt  }
0x60: {  	_ =	shalt  }
0x61: {  	_ =	shalt  }
0x62: {  	_ =	shalt  }
0x63: {  	_ =	shalt  }
0x64: {  	_ =	shalt  }
0x65: {  	_ =	shalt  }
0x66: {  	_ =	shalt  }
0x67: {  	_ =	shalt  }
0x68: {  	_ =	shalt  }
0x69: {  	_ =	shalt  }
0x6a: {  	_ =	shalt  }
0x6b: {  	_ =	shalt  }
0x6c: {  	_ =	shalt  }
0x6d: {  	_ =	shalt  }
0x6e: {  	_ =	shalt  }
0x6f: {  	_ =	shalt  }
0x70: {  	_ =	shalt  }
0x71: {  	_ =	shalt  }
0x72: {  	_ =	shalt  }
0x73: {  	_ =	shalt  }
0x74: {  	_ =	shalt  }
0x75: {  	_ =	shalt  }
0x76: {  	_ =	shalt  }
0x77: {  	_ =	shalt  }
0x78: {  	_ =	shalt  }
0x79: {  	_ =	shalt  }
0x7a: {  	_ =	shalt  }
0x7b: {  	_ =	shalt  }
0x7c: {  	_ =	shalt  }
0x7d: {  	_ =	shalt  }
0x7e: {  	_ =	shalt  }
0x7f: {  	_ =	shalt  }
0x80: {  	_ =	shalt  }
0x81: {  	_ =	shalt  }
0x82: {  	_ =	shalt  }
0x83: {  	_ =	shalt  }
0x84: {  	_ =	shalt  }
0x85: {  	_ =	shalt  }
0x86: {  	_ =	shalt  }
0x87: {  	_ =	shalt  }
.Lfunc_end0:
.L_simem_size_0:
called_computation.5_lowered:
.L_overlay_start_0:
0x88: {  	s2 =	sld [smem:$0x3FD9]  }
0x89: {  	s3 =	sld [smem:$0x3FFE];
	_ =	sdelay $0x1  }
0x8a: {  	s1 =	srdreg.scid  }
0x8b: {  	s0 =	sand.u32 $0x1, s1  }
0x8c: {  	s17 =	sshll.u32 s0, $0xA;
	s2 =	sadd.s32 s3, s2  }
0x8d: {  	s2 =	sadd.s32 s2, s17  }
0x8e: {  	[smem:$0x3FC3] =	sst s2  }
0x8f: {  	_ = 	snop  }
0x90: {  	(tm) =	ssettm $0x1  }
0x91: {  	s18 =	sld [smem:$0x3FFB];
	_ =	sdelay $0x3  }
0x92: {  	_ =	strace s18  }
0x93: {  	s2 =	sld [smem:$0x3FFC];
	_ =	sdelay $0x3  }
0x94: {  	_ =	strace s2  }
0x95: {  	s2 =	sld [smem:$0x3FFD];
	_ =	sdelay $0x3  }
0x96: {  	_ =	strace s2  }
0x97: {  	_ =	strace $0x8FFFFFFF  }
0x98: {  	s19 =	sld [smem:$0x3FDB];
	_ =	sdelay $0x1  }
0x99: {  	s20 =	simm.s32 $_scs_section_size  }
0x9a: {  	s4 =	simm.s32 $_size__tile_overlayer_lowered;
	s5 =	simm.s32 $_tile_overlayer_lowered  }
0x9b: {  	s6 =	simm.s32 $0x1BFF;
	s21 =	sshll.u32 s5, $0x1;
	s3 =	sadd.s32 s20, s19  }
0x9c: {  	s22 =	simm.s32 $0x0;
	s4 =	sshll.u32 s4, $0x1;
	s5 =	sadd.s32 s21, s3  }
0x9d: {  	[timem:s22], [sflag:s6] =	dma.local [hbm:s5], s4  }
0x9e: {  	_ =	swait.ge [sflag:s6], s4  }
0x9f: {  	s4 =	ssub.s32 $0x0, s4;
	[sflag:s6] =	ssyncset.done $0x0  }
0xa0: {  	[sflag:s6] =	ssyncadd.s32 s4;
	_ =	sdelay $0x1  }
0xa1: {  	s23 =	simm.s32 $0x1B8B  }
0xa2: {  	_ =	swait.ge [sflag:s23], $0x1  }
0xa3: {  	[sflag:s23] =	ssyncset.done $0x0  }
0xa4: {  	[sflag:s23] =	ssyncadd.s32 $0xFFFFFFFF  }
0xa5: {  	s4 =	sld [smem:$0x0]  }
0xa6: {  	s5 =	sand.u32 $0xFFFFFFFE, s1  }
0xa7: {  	p0 =	sne.s32 s1, s5  }
0xa8: {  	s5 =	sshll.u32 @p0 s5, $0xE  }
0xa9: {  	s5 =	sadd.s32 @p0 $0x11B8D, s5;
	s6 =	sshll.u32 @p0 s4, $0x11  }
0xaa: {  	s5 =	sor.u32 @p0 s6, s5  }
0xab: {  	[sflag:s5] =	ssyncadd.remote.s32 @p0 $0x1;
	_ =	sdelay $0x1  }
0xac: {  	s5 =	simm.s32 @p0 $0x1B8D  }
0xad: {  	_ =	swait.eq @p0 [sflag:s5], $0x1  }
0xae: {  	[sflag:s5] =	ssyncadd.s32 @p0 $0xFFFFFFFF  }
0xaf: {  	s6 =	sshll.u32 @!p0 s1, $0xE  }
0xb0: {  	s6 =	sor.u32 @!p0 $0x4000, s6;
	s5 =	simm.s32 @!p0 $0x1B8D  }
0xb1: {  	s4 =	sshll.u32 @!p0 s4, $0x11;
	s6 =	sadd.s32 @!p0 $0x11B8D, s6;
	_ =	swait.eq @!p0 [sflag:s5], $0x1  }
0xb2: {  	s4 =	sor.u32 @!p0 s4, s6;
	[sflag:s5] =	ssyncadd.s32 @!p0 $0xFFFFFFFF  }
0xb3: {  	s25 =	simm.s32 $0x1B8E;
	s24 =	sld [smem:$0x3FFE];
	[sflag:s4] =	ssyncadd.remote.s32 @!p0 $0x1  }
0xb4: {  	s26 =	simm.s32 $execute0_lowered;
	[smem:$0x3FD2] =	sst s25  }
0xb5: {  	s5 =	sshll.u32 s26, $0x1;
	_ =	strace $0x80000052;
	[dreg:$0x1] =	wrdreg $0xFFFFFFFF  }
0xb6: {  	s28 =	simm.s32 $_size_execute0_lowered;
	s3 =	sadd.s32 s3, s5;
	[dreg:$0x0] =	wrdreg $0x0  }
0xb7: {  	s5 =	sshll.u32 s28, $0x1;
	[dreg:$0x2] =	wrdreg s3  }
0xb8: {  	[dreg:$0x3] =	wrdreg s5  }
0xb9: {  	[dreg:$0x4] =	wrdreg $0xC0  }
0xba: {  	_ =	task [dreg:s22], $0x5FFFF  }
0xbb: {  	[dreg:$0x1] =	wrdreg $0xFFFFFFFF  }
0xbc: {  	[dreg:$0x0] =	wrdreg $0x60  }
0xbd: {  	[dreg:$0x2] =	wrdreg s24  }
0xbe: {  	[dreg:$0x3] =	wrdreg $0xB  }
0xbf: {  	_ =	task.clear_ibuf [dreg:s22], $0x4FFFF;
	_ =	strace $0x90000052  }
0xc0: {  	s29 =	simm.s32 $0xB;
	_ =	strace $0x80000054  }
0xc1: {  	_ =	swait.ge [sflag:s29], $0x1  }
0xc2: {  	[sflag:s29] =	ssyncadd.s32 $0xFFFFFFFF  }
0xc3: {  	_ =	strace $0x90000054  }
0xc4: {  	_ =	sfence  }
0xc5: {  	s30 =	sld [smem:$0x0];
	_ =	sdelay $0x2  }
0xc6: {  	s31 =	sshll.u32 s1, $0xD;
	s1 =	sshrl.u32 s1, $0x2  }
0xc7: {  	s4 =	sand.u32 $0x4000, s31;
	s1 =	sadd.s32 s1, s30  }
0xc8: {  	s0 =	sor.u32 s4, s0;
	s1 =	sshll.u32 s1, $0x11  }
0xc9: {  	s0 =	sor.u32 s1, s0  }
0xca: {  	s0 =	sadd.s32 $0x8F2B, s0  }
0xcb: {  	[sflag:s0] =	ssyncadd.remote.s32 $0x1  }
0xcc: {  	_ =	sfence.sel $0xFFFF  }
0xcd: {  	[dreg:$0x0] =	wrdreg $0xFFFFFFFF;
	(pc) =	sbr.abs _section_cstart, $3  }
0xce: {  	[dreg:$0x1] =	wrdreg $0xFFFFFFFF  }
0xcf: {  	_ =	task.clear_ibuf [dreg:s22], $0x2FFFF;
	_ =	strace $0x9FFFFFFF  }
0xd0: {  	(tm) =	ssettm $0x7FFFFFFF  }
0xd1: {  	_ =	shalt  }
tec
execute0_lowered:
.L_overlay_start_1:
0x0: {  	(tag) =	ssettag $0x1  }
0x1: {  	s0 =	srdreg.scid;
	s5 =	rddreg [dreg:$0x0]  }
0x2: {  	s1 =	stileid.u32;
	s6 =	simm.s32 $0x1;
	s9 =	simm.s32 $0x1  }
0x3: {  	s10 =	simm.s32 $0x3;
	s13 =	simm.s32 $0x0;
	s2 =	sshll.u32 s0, $0xA  }
0x4: {  	s12 =	simm.s32 $0x0;
	s3 =	sshll.u32 s1, $0xB;
	s2 =	sand.u32 $0x400, s2  }
0x5: {  	s0 =	rddreg [dreg:$0x1];
	_ =	strace $0x80000053;
	s2 =	sor.u32 s3, s2  }
0x6: {  	s4 =	sadd.s32 $0x1400, s5;
	[sflag:s6] =	ssyncpa.u1 $0x0;
	s8 =	ssub.s32 $0xA000, s2  }
.Ltmp0:
0x7: {  	s3 =	sadd.s32 $0x27E600, s5;
	s7 =	sand.u32 $0x7C00, s8;
	(pc) =	sbr.rel .LBB2_1-.Ltmp0, $4  }
0x8: {  	s5 =	sadd.s32 $0x519600, s5;
	s11 =	smov.u32 s2;
	p0 =	sne.s32 s7, $0x0  }
0x9: {  	s8 =	sshrl.u32 s8, $0xF;
	s7 =	simm.s32 $0x2;
	s9 =	simm.s32 @!p0 $0x0  }
0xa: {  	[sflag:s7] =	ssyncpa.u1 $0x0;
	p0 =	por $0x0, $0x0;
	s8 =	sadd.s32 s9, s8  }
0xb: {  	vm0 =	vmmov $0xffff;
	[sflag:s10] =	ssyncpa.u1 $0x0;
	s10 =	simm.s32 $0x0;
	s9 =	sadd.s32 $0x1, s8  }
.LBB2_4:
0xc: {  	v2 =	vnsel vm1, $0x0, v2  }
0xd: {  	vm1 =	vgt.s32 v0, $0x0;
	v2 =	vmin.u32 v2, $0x270FF  }
0xe: {  	v0 =	vnsel vm1, $0x0, v0  }
0xf: {  	v0 =	vmin.u32 v0, $0x270FF  }
0x10: {  	[tilespmem:s15], [sflag:$0x1] =	stream.indirect_vreg.gather [hbm4b:s3+s10], $0x1, v1, vm0, $0x4038;
	[tilespmem:$0x1000] =	vst v63  }
0x11: {  	(ifvalue) =	ssetifvalue $0x7FFFFFFF  }
0x12: {  	[tilespmem:s16], [sflag:$0x1] =	stream.indirect_vreg.gather [hbm4b:s3+s10], $0x1, v2, vm0, $0x4038;
	[tilespmem:$0x1000] =	vst v63  }
0x13: {  	s29 =	sadd.s32 $0x10, s16;
	(ifvalue) =	ssetifvalue $0x7FFFFFFF  }
0x14: {  	[tilespmem:s29], [sflag:$0x1] =	stream.indirect_vreg.gather [hbm4b:s3+s10], $0x1, v0, vm0, $0x4038;
	[tilespmem:$0x1000] =	vst v63  }
0x15: {  	_ =	swait.ge [sflag:s6], $0x400  }
0x16: {  	s30 =	sshrl.u32 s13, $0x3;
	[sflag:s6] =	ssyncset.done $0x0  }
0x17: {  	s31 =	sand.u32 $0x7, s13;
	s15 =	sadd.s32 s5, s30;
	[sflag:s6] =	ssyncadd.s32 $0xFFFFFC00  }
0x18: {  	[hbm4b:s15+s31] =	stream.linear.scatter [tilespmem:s14], [sflag:$0x3], $0x400, $0x38;
	[tilespmem:$0x1000] =	vst v63  }
.LBB2_5:
0x19: {  	s15 =	sadd.s32 $0x8000, s11  }
0x1a: {  	p2 =	sgt.s32 s15, $0x9FFF  }
0x1b: {  	s15 =	smov.u32 @p2 s2;
	p2 =	sne.s32 s12, s9  }
.Ltmp1:
0x1c: {  	p1 =	slt.u32 s12, $0x2;
	(pc) =	sbr.rel @!p2 .LBB2_6-.Ltmp1, $4  }
0x1d: {  	s14 =	simm.s32 @!p1 $0x3  }
0x1e: {  	s16 =	sadd.s32 $0x1, s12;
	_ =	swait.ge @!p1 [sflag:s14], $0x400  }
0x1f: {  	s13 =	smov.u32 s11;
	p0 =	por !p0, !p0;
	[sflag:s14] =	ssyncset.done @!p1 $0x0  }
0x20: {  	s12 =	smov.u32 s16;
	s11 =	smov.u32 s15;
	[sflag:s14] =	ssyncadd.s32 @!p1 $0xFFFFFC00  }
.LBB2_1:
0x21: {  	p1 =	sge.u32 s12, s8  }
0x22: {  	s14 =	sxor.u32 @!p1 $0xFFFFFFFF, s12  }
0x23: {  	s31 =	sadd.s32 $0xFFFFFFFF, s12;
	s15 =	sshrl.u32 @!p1 s11, $0x3;
	s14 =	sshll.u32 @!p1 s14, $0xA  }
0x24: {  	s16 =	sand.u32 @!p1 $0x7, s11;
	s15 =	sadd.s32 @!p1 s4, s15;
	s14 =	sand.u32 @!p1 $0x400, s14  }
0x25: {  	[tilespmem:s14], [sflag:$0x2] =	stream.linear.gather @!p1 [hbm4b:s15+s16], $0x400, $0x38;
	[tilespmem:$0x1000] =	vst v63  }
0x26: {  	p1 =	sge.u32 s31, s8  }
.Ltmp2:
0x27: {  	_ = 	snop;
	(pc) =	sbr.rel @p1 .LBB2_5-.Ltmp2, $1  }
0x28: {  	_ =	sdelay $0x3  }
0x29: {  	s14 =	simm.s32 $0x1  }
0x2a: {  	_ =	swait.ge [sflag:s7], $0x400;
	s14 =	simm.s32 @!p0 $0x0  }
0x2b: {  	[sflag:s7] =	ssyncset.done $0x0;
	s14 =	sshll.u32 s14, $0xA  }
0x2c: {  	[sflag:s7] =	ssyncadd.s32 $0xFFFFFC00;
	(ifvalue) =	ssetifvalue $0x7FFFFFFF;
	v0 =	vld.msk [tilespmem:s14+$0x0 ss:$0x1], $0xffff;
	_ =	sdelay $0x4  }
0x2d: {  	s15 =	sadd.s32 $0x10, s14;
	vm1 =	vgt.s32 v0, $0x0  }
0x2e: {  	v2 =	vld.msk [tilespmem:s15+$0x0 ss:$0x1], $0xffff;
	v1 =	vnsel vm1, $0x0, v0  }
0x2f: {  	v1 =	vmin.u32 v1, $0x270FF;
	_ =	sdelay $0x1  }
0x30: {  	s16 =	sshll.u32 s12, $0xA;
	s18 =	simm.s32 $0x20  }
0x31: {  	s16 =	sand.u32 $0x400, s16;
	s17 =	sadd.s32 $0x10, s15;
	s15 =	sor.u32 $0x800, s14  }
0x32: {  	s14 =	sor.u32 $0x800, s16;
	s16 =	sadd.s32 $0x10, s15;
	v0 =	vld.msk [tilespmem:s17+$0x0 ss:$0x1], $0xffff;
	vm1 =	vgt.s32 v2, $0x0;
	(ifvalue) =	ssetifvalue $0x7FFFFFFF  }
.LBB2_3:
0x33: {  	[tilespmem:s15], [sflag:$0x1] =	stream.indirect_vreg.gather [hbm4b:s3+s10], $0x1, v1, vm0, $0x4038;
	[tilespmem:$0x1000] =	vst v63  }
0x34: {  	s18 =	sadd.s32 $0x10, s18  }
0x35: {  	v2 =	vnsel vm1, $0x0, v2;
	p1 =	slt.u32 s18, $0x3F0  }
.Ltmp3:
0x36: {  	s15 =	smov.u32 s16;
	v1 =	vmin.u32 v2, $0x270FF;
	(pc) =	sbr.rel @p1 .LBB2_3-.Ltmp3, $3  }
0x37: {  	_ =	sdelay $0x1  }
0x38: {  	s17 =	sadd.s32 $0x10, s17  }
0x39: {  	vm1 =	vgt.s32 v0, $0x0;
	s16 =	sadd.s32 $0x10, s16;
	v2 =	vmov v0;
	(ifvalue) =	ssetifvalue $0x7FFFFFFF;
	v0 =	vld.msk [tilespmem:s17+$0x0 ss:$0x1], $0xffff  }
.Ltmp4:
0x3a: {  	_ = 	snop;
	(pc) =	sbr.rel .LBB2_4-.Ltmp4, $1  }
0x3b: {  	_ =	sdelay $0x3  }
.LBB2_6:
0x3c: {  	_ =	sfence.sel $0x180000  }
0x3d: {  	s2 =	simm.s32 $0x2;
	[bflag:$0x0] =	sbarrier.arrive $0xFFFF  }
0x3e: {  	s30 =	simm.s32 $0x3;
	[sflag:s2] =	ssyncpa.u1 $0x1  }
0x3f: {  	s31 =	simm.s32 $0x1;
	[sflag:s30] =	ssyncpa.u1 $0x1  }
0x40: {  	[sflag:s31] =	ssyncpa.u1 $0x1  }
0x41: {  	p0 =	sne.s32 s1, $0x0;
	_ =	strace $0x90000053  }
0x42: {  	s0 =	sadd.s32 @!p0 $0x100000, s0;
	[bflag:$0x2] =	sbarrier.arrive $0xFFFF  }
0x43: {  	[sflag:s0] =	ssyncadd.tile.s32 @!p0 $0x1;
	_ =	shalt  }
.Lfunc_end2:
_tile_overlayer_lowered:
.L_overlay_start_2:
0x44: {  	(tag) =	ssettag $0x2  }
0x45: {  	s0 =	rddreg [dreg:$0x0];
	s2 =	stileid.u32  }
0x46: {  	s1 =	rddreg [dreg:$0x1];
	p0 =	sne.s32 s2, $0x0  }
0x47: {  	s3 =	rddreg [dreg:$0x2];
	[bflag:$0x3] =	sbarrier.arrive $0xFFFF;
	s2 =	simm.s32 @!p0 $0x1C01  }
0x48: {  	[timem:s3], [sflag:s2] =	dma.local @!p0 [hbm:s0], s1  }
0x49: {  	s0 =	simm.s32 @!p0 $0x1  }
0x4a: {  	_ =	swait.ge @!p0 [sflag:s0], s1  }
0x4b: {  	s1 =	ssub.s32 @!p0 $0x0, s1;
	[sflag:s0] =	ssyncset.done @!p0 $0x0  }
0x4c: {  	[sflag:s0] =	ssyncadd.s32 @!p0 s1  }
0x4d: {  	[bflag:$0x3] =	sbarrier.arrive $0xFFFF  }
0x4e: {  	_ =	shalt  }

// kernel: gather_offload_async_start.5
scs
__scs_entry_jumppad:
0x0: {  	(pc) =	sbr.rel $0x88, $3  }
0x1: {  	(tag) =	ssettag $0x0;
	lr =	simm.s32 $0x1  }
0x2: {  	[smem:$0x3F9C] =	sst lr;
	_ =	strace $0xD0000000  }
0x3: {  	_ = 	snop  }
0x4: {  	_ = 	snop  }
0x5: {  	_ = 	snop  }
0x6: {  	_ = 	snop  }
0x7: {  	_ = 	snop  }
__scs_overlays_trampoline_lowered:
0x8: {  	[smem:$0x3FAB] =	sst s0  }
0x9: {  	[smem:$0x3FAC] =	sst s1  }
0xa: {  	[smem:$0x3FAD] =	sst s2  }
0xb: {  	[smem:$0x3FAE] =	sst s3  }
0xc: {  	[smem:$0x3FAF] =	sst s4  }
0xd: {  	[smem:$0x3FB0] =	sst s5  }
0xe: {  	[smem:$0x3FB1] =	sst s6  }
0xf: {  	[smem:$0x3FB2] =	sst s7  }
0x10: {  	[smem:$0x3FB3] =	sst s8  }
0x11: {  	[smem:$0x3FB4] =	sst s9;
	s0 =	simm.s32 @!p0 $0x0  }
0x12: {  	s1 =	sld [smem:$0x3F9A];
	s0 =	simm.s32 @p0 $0x1  }
0x13: {  	[smem:$0x3FB5] =	sst s0;
	s0 =	simm.s32 @!p1 $0x0  }
0x14: {  	s2 =	sld [smem:$0x3F99];
	s0 =	simm.s32 @p1 $0x1  }
0x15: {  	[smem:$0x3FB6] =	sst s0;
	s0 =	simm.s32 @!p2 $0x0  }
0x16: {  	s3 =	sld [smem:$0x3FDB];
	s0 =	simm.s32 @p2 $0x1  }
0x17: {  	s4 =	simm.s32 $0x1BF5;
	[smem:$0x3FB8] =	sst s0  }
0x18: {  	s0 =	sld [smem:$0x3F9B];
	_ =	swait.ge [sflag:s4], $0x0  }
0x19: {  	s7 =	sld [smem:$0x3F9C]  }
0x1a: {  	s8 =	sadd.s32 $0xFFFFE003, lr  }
0x1b: {  	s9 =	sadd.s32 $0xFFFFFEF7, lr;
	s5 =	simm.s32 $0xFFFFFFFF;
	p2 =	slt.u32 s8, $0xFFFFF086  }
0x1c: {  	p1 =	slt.u32 s9, $0xF7A;
	s5 =	simm.s32 @!p2 $0x0  }
0x1d: {  	s5 =	simm.s32 @p1 $0x1;
	p0 =	seq.s32 s7, s2  }
0x1e: {  	s7 =	smul.u32 @!p0 $0xF7A, s2;
	p2 =	seq.s32 @!p0 s5, $0x0  }
0x1f: {  	s9 =	smul.u32 $0xF7A, s1;
	s8 =	simm.s32 @!p0 $0x1BF5;
	p2 =	por !p2, p0  }
0x20: {  	[sflag:s8] =	ssyncset.s32 @!p0 $0xFFFFF086;
	s6 =	sadd.s32 @!p0 s3, s7;
	s7 =	simm.s32 @!p0 $0x108  }
0x21: {  	s3 =	sadd.s32 s3, s9;
	s6 =	sadd.s32 @!p0 $0x88, s6;
	s7 =	simm.s32 @p2 $0x1082  }
0x22: {  	[simem:s7], [sflag:s8] =	dma.local @!p0 [hbm:s6], $0xF7A  }
0x23: {  	s9 =	sor.u32 $0xD0000000, s2;
	s6 =	simm.s32 $0x108;
	_ =	swait.ge @!p0 [sflag:s8], $0x0  }
0x24: {  	s3 =	sadd.s32 $0x88, s3;
	s6 =	simm.s32 @!p1 $0x1082;
	[sflag:s4] =	ssyncset.s32 $0xFFFFF086  }
0x25: {  	[simem:s6], [sflag:s4] =	dma.local [hbm:s3], $0xF7A  }
0x26: {  	[smem:$0x3F9C] =	sst s1;
	(tag) =	ssettag s2;
	_ =	strace s9  }
0x27: {  	s1 =	sld [smem:$0x3FAC]  }
0x28: {  	s2 =	sld [smem:$0x3FAD]  }
0x29: {  	s4 =	sld [smem:$0x3FAF]  }
0x2a: {  	p0 =	seq.s32 s5, $0x0;
	s5 =	sld [smem:$0x3FB0]  }
0x2b: {  	s6 =	sld [smem:$0x3FB1]  }
0x2c: {  	s7 =	sld [smem:$0x3FB2]  }
0x2d: {  	s3 =	simm.s32 $0x108;
	s8 =	sld [smem:$0x3FB3]  }
0x2e: {  	s3 =	simm.s32 @!p0 $0x1082;
	s9 =	sld [smem:$0x3FB4]  }
0x2f: {  	lr =	sadd.s32 s0, s3;
	s0 =	sld [smem:$0x3FAB]  }
0x30: {  	s3 =	sld [smem:$0x3FAE]  }
0x31: {  	[smem:$0x3FB7] =	sst s10  }
0x32: {  	s10 =	sld [smem:$0x3FB5];
	_ =	sdelay $0x3  }
0x33: {  	p0 =	seq.s32 s10, $0x1;
	s10 =	sld [smem:$0x3FB7];
	_ =	sdelay $0x3  }
0x34: {  	[smem:$0x3FB7] =	sst s10  }
0x35: {  	s10 =	sld [smem:$0x3FB6];
	_ =	sdelay $0x3  }
0x36: {  	p1 =	seq.s32 s10, $0x1;
	s10 =	sld [smem:$0x3FB7];
	_ =	sdelay $0x3  }
0x37: {  	[smem:$0x3FB7] =	sst s10  }
0x38: {  	s10 =	sld [smem:$0x3FB8]  }
0x39: {  	_ = 	snop;
	(pc) =	sbr.ind lr, $3  }
0x3a: {  	_ = 	snop  }
0x3b: {  	_ = 	snop  }
0x3c: {  	p2 =	seq.s32 s10, $0x1;
	s10 =	sld [smem:$0x3FB7]  }
0x3d: {  	_ =	shalt  }
0x3e: {  	_ =	shalt  }
0x3f: {  	_ =	shalt  }
0x40: {  	_ =	shalt  }
0x41: {  	_ =	shalt  }
0x42: {  	_ =	shalt  }
0x43: {  	_ =	shalt  }
0x44: {  	_ =	shalt  }
0x45: {  	_ =	shalt  }
0x46: {  	_ =	shalt  }
0x47: {  	_ =	shalt  }
0x48: {  	_ =	shalt  }
0x49: {  	_ =	shalt  }
0x4a: {  	_ =	shalt  }
0x4b: {  	_ =	shalt  }
0x4c: {  	_ =	shalt  }
0x4d: {  	_ =	shalt  }
0x4e: {  	_ =	shalt  }
0x4f: {  	_ =	shalt  }
0x50: {  	_ =	shalt  }
0x51: {  	_ =	shalt  }
0x52: {  	_ =	shalt  }
0x53: {  	_ =	shalt  }
0x54: {  	_ =	shalt  }
0x55: {  	_ =	shalt  }
0x56: {  	_ =	shalt  }
0x57: {  	_ =	shalt  }
0x58: {  	_ =	shalt  }
0x59: {  	_ =	shalt  }
0x5a: {  	_ =	shalt  }
0x5b: {  	_ =	shalt  }
0x5c: {  	_ =	shalt  }
0x5d: {  	_ =	shalt  }
0x5e: {  	_ =	shalt  }
0x5f: {  	_ =	shalt  }
0x60: {  	_ =	shalt  }
0x61: {  	_ =	shalt  }
0x62: {  	_ =	shalt  }
0x63: {  	_ =	shalt  }
0x64: {  	_ =	shalt  }
0x65: {  	_ =	shalt  }
0x66: {  	_ =	shalt  }
0x67: {  	_ =	shalt  }
0x68: {  	_ =	shalt  }
0x69: {  	_ =	shalt  }
0x6a: {  	_ =	shalt  }
0x6b: {  	_ =	shalt  }
0x6c: {  	_ =	shalt  }
0x6d: {  	_ =	shalt  }
0x6e: {  	_ =	shalt  }
0x6f: {  	_ =	shalt  }
0x70: {  	_ =	shalt  }
0x71: {  	_ =	shalt  }
0x72: {  	_ =	shalt  }
0x73: {  	_ =	shalt  }
0x74: {  	_ =	shalt  }
0x75: {  	_ =	shalt  }
0x76: {  	_ =	shalt  }
0x77: {  	_ =	shalt  }
0x78: {  	_ =	shalt  }
0x79: {  	_ =	shalt  }
0x7a: {  	_ =	shalt  }
0x7b: {  	_ =	shalt  }
0x7c: {  	_ =	shalt  }
0x7d: {  	_ =	shalt  }
0x7e: {  	_ =	shalt  }
0x7f: {  	_ =	shalt  }
0x80: {  	_ =	shalt  }
0x81: {  	_ =	shalt  }
0x82: {  	_ =	shalt  }
0x83: {  	_ =	shalt  }
0x84: {  	_ =	shalt  }
0x85: {  	_ =	shalt  }
0x86: {  	_ =	shalt  }
0x87: {  	_ =	shalt  }
.Lfunc_end0:
.L_simem_size_0:
called_computation.6_lowered:
.L_overlay_start_0:
0x88: {  	s0 =	sld [smem:$0x3FD9]  }
0x89: {  	s1 =	sld [smem:$0x3FFE];
	_ =	sdelay $0x3  }
0x8a: {  	s0 =	sadd.s32 s1, s0  }
0x8b: {  	[smem:$0x3FC3] =	sst s0  }
0x8c: {  	_ = 	snop  }
0x8d: {  	s0 =	sld [smem:$0x3FC6]  }
0x8e: {  	s16 =	sld [smem:$0x3FD0];
	(tm) =	ssettm $0x1  }
0x8f: {  	s2 =	sld [smem:$0x3FFB];
	_ =	sdelay $0x3  }
0x90: {  	_ =	strace s2  }
0x91: {  	s2 =	sld [smem:$0x3FFC];
	_ =	sdelay $0x3  }
0x92: {  	_ =	strace s2  }
0x93: {  	s2 =	sld [smem:$0x3FFD];
	_ =	sdelay $0x3  }
0x94: {  	_ =	strace s2  }
0x95: {  	_ =	strace $0x8FFFFFFF  }
0x96: {  	s17 =	sld [smem:$0x3FDB];
	_ =	sdelay $0x1  }
0x97: {  	s3 =	simm.s32 $_scs_section_size  }
0x98: {  	s4 =	simm.s32 $_size__tile_overlayer_lowered;
	s5 =	simm.s32 $_tile_overlayer_lowered  }
0x99: {  	s20 =	simm.s32 $0x1BFF;
	s19 =	sshll.u32 s5, $0x1;
	s2 =	sadd.s32 s3, s17  }
0x9a: {  	s6 =	simm.s32 $0x0;
	s18 =	sshll.u32 s4, $0x1;
	s4 =	sadd.s32 s19, s2  }
0x9b: {  	[timem:s6], [sflag:s20] =	dma.local [hbm:s4], s18  }
0x9c: {  	_ =	swait.ge [sflag:s20], s18  }
0x9d: {  	s3 =	ssub.s32 $0x0, s18;
	[sflag:s20] =	ssyncset.done $0x0  }
0x9e: {  	[sflag:s20] =	ssyncadd.s32 s3;
	_ =	sdelay $0x1  }
0x9f: {  	s21 =	simm.s32 $0x1B8B  }
0xa0: {  	_ =	swait.ge [sflag:s21], $0x1  }
0xa1: {  	[sflag:s21] =	ssyncset.done $0x0  }
0xa2: {  	s23 =	simm.s32 $0x1B8E;
	s22 =	sld [smem:$0x3FFE];
	[sflag:s21] =	ssyncadd.s32 $0xFFFFFFFF  }
0xa3: {  	s24 =	simm.s32 $execute0_lowered;
	[smem:$0x3FD2] =	sst s23  }
0xa4: {  	s4 =	sshll.u32 s24, $0x1;
	_ =	strace $0x8000004C;
	[dreg:$0x1] =	wrdreg $0xFFFFFFFF  }
0xa5: {  	s25 =	simm.s32 $_size_execute0_lowered;
	s2 =	sadd.s32 s2, s4;
	[dreg:$0x0] =	wrdreg $0x0  }
0xa6: {  	s4 =	sshll.u32 s25, $0x1;
	[dreg:$0x2] =	wrdreg s2  }
0xa7: {  	[dreg:$0x3] =	wrdreg s4  }
0xa8: {  	[dreg:$0x4] =	wrdreg $0xC0  }
0xa9: {  	_ =	task [dreg:s6], $0x5FFFF  }
0xaa: {  	[dreg:$0x1] =	wrdreg $0xFFFFFFFF  }
0xab: {  	[dreg:$0x0] =	wrdreg $0x60  }
0xac: {  	[dreg:$0x2] =	wrdreg s0  }
0xad: {  	[dreg:$0x3] =	wrdreg s22  }
0xae: {  	[dreg:$0x4] =	wrdreg s16  }
0xaf: {  	[dreg:$0x5] =	wrdreg $0x9  }
0xb0: {  	_ =	task.clear_ibuf [dreg:s6], $0x6FFFF;
	_ =	strace $0x9000004C  }
0xb1: {  	s26 =	simm.s32 $0x9;
	_ =	strace $0x8000004E  }
0xb2: {  	_ =	swait.ge [sflag:s26], $0x1  }
0xb3: {  	[sflag:s26] =	ssyncadd.s32 $0xFFFFFFFF  }
0xb4: {  	_ =	strace $0x9000004E  }
0xb5: {  	_ =	sfence  }
0xb6: {  	s28 =	sld [smem:$0x0];
	_ =	sdelay $0x1  }
0xb7: {  	s29 =	srdreg.scid  }
0xb8: {  	s30 =	sshll.u32 s29, $0xD;
	s31 =	sshrl.u32 s29, $0x2  }
0xb9: {  	s1 =	sand.u32 $0x1, s29;
	s2 =	sand.u32 $0x4000, s30;
	s0 =	sadd.s32 s31, s28  }
0xba: {  	s1 =	sor.u32 s2, s1;
	s0 =	sshll.u32 s0, $0x11  }
0xbb: {  	s0 =	sor.u32 s0, s1  }
0xbc: {  	s0 =	sadd.s32 $0x8F2B, s0  }
0xbd: {  	[sflag:s0] =	ssyncadd.remote.s32 $0x1  }
0xbe: {  	_ =	sfence.sel $0xFFFF  }
0xbf: {  	[dreg:$0x0] =	wrdreg $0xFFFFFFFF;
	(pc) =	sbr.abs _section_cstart, $3  }
0xc0: {  	[dreg:$0x1] =	wrdreg $0xFFFFFFFF  }
0xc1: {  	_ =	task.clear_ibuf [dreg:s6], $0x2FFFF;
	_ =	strace $0x9FFFFFFF  }
0xc2: {  	(tm) =	ssettm $0x7FFFFFFF  }
0xc3: {  	_ =	shalt  }
tec
execute0_lowered:
.L_overlay_start_1:
0x0: {  	(tag) =	ssettag $0x1  }
0x1: {  	s2 =	rddreg [dreg:$0x0]  }
0x2: {  	s8 =	rddreg [dreg:$0x1]  }
0x3: {  	s3 =	rddreg [dreg:$0x2]  }
0x4: {  	s0 =	rddreg [dreg:$0x3];
	_ =	strace $0x8000004D;
	s4 =	simm.s32 $0x1  }
0x5: {  	s1 =	stileid.u32;
	s7 =	simm.s32 $0x1;
	s9 =	simm.s32 $0x1  }
0x6: {  	s6 =	simm.s32 $0x2;
	s10 =	simm.s32 $0x3;
	s13 =	simm.s32 $0x0  }
.Ltmp0:
0x7: {  	s12 =	simm.s32 $0x0;
	p0 =	slt.u32 s1, $0xA;
	(pc) =	sbr.rel .LBB2_1-.Ltmp0, $4  }
0x8: {  	[sflag:s4] =	ssyncpa.u1 $0x0;
	s7 =	simm.s32 @!p0 $0x0;
	p0 =	sne.s32 s1, $0x9  }
0x9: {  	s5 =	smul.u32 $0x190, s1;
	[sflag:s6] =	ssyncpa.u1 $0x0;
	s9 =	simm.s32 @!p0 $0x0  }
0xa: {  	s8 =	sadd.s32 $0x3000, s8;
	[sflag:s10] =	ssyncpa.u1 $0x0;
	s7 =	sadd.s32 s9, s7  }
0xb: {  	vm0 =	vmmov $0xffff;
	s10 =	simm.s32 $0x0;
	s11 =	smov.u32 s5;
	s9 =	sadd.s32 $0x1, s7  }
.LBB2_4:
0xc: {  	v2 =	vnsel vm1, $0x0, v2  }
0xd: {  	vm1 =	vgt.s32 v0, $0x0;
	v2 =	vmin.u32 v2, $0x270F  }
0xe: {  	v0 =	vnsel vm1, $0x0, v0  }
0xf: {  	v0 =	vmin.u32 v0, $0x270F  }
0x10: {  	[tilespmem:s18], [sflag:$0x1] =	stream.indirect_vreg.gather [hbm4b:s2+s10], $0x1, v1, vm0, $0x4038;
	[tilespmem:$0x640] =	vst v63  }
0x11: {  	(ifvalue) =	ssetifvalue $0x7FFFFFFF  }
0x12: {  	[tilespmem:s15], [sflag:$0x1] =	stream.indirect_vreg.gather [hbm4b:s2+s10], $0x1, v2, vm0, $0x4038;
	[tilespmem:$0x640] =	vst v63  }
0x13: {  	s29 =	sadd.s32 $0x10, s15;
	(ifvalue) =	ssetifvalue $0x7FFFFFFF  }
0x14: {  	[tilespmem:s29], [sflag:$0x1] =	stream.indirect_vreg.gather [hbm4b:s2+s10], $0x1, v0, vm0, $0x4038;
	[tilespmem:$0x640] =	vst v63  }
0x15: {  	_ =	swait.ge [sflag:s4], $0x190  }
0x16: {  	s30 =	sshrl.u32 s13, $0x3;
	[sflag:s4] =	ssyncset.done $0x0  }
0x17: {  	s31 =	sand.u32 $0x7, s13;
	s15 =	sadd.s32 s3, s30;
	[sflag:s4] =	ssyncadd.s32 $0xFFFFFE70  }
0x18: {  	[hbm4b:s15+s31] =	stream.linear.scatter [tilespmem:s14], [sflag:$0x3], $0x190, $0x38;
	[tilespmem:$0x640] =	vst v63  }
.LBB2_5:
0x19: {  	s15 =	sadd.s32 $0x1900, s11  }
0x1a: {  	p1 =	sgt.s32 s15, $0x270F  }
0x1b: {  	s15 =	smov.u32 @p1 s5;
	p1 =	sne.s32 s12, s9  }
.Ltmp1:
0x1c: {  	p0 =	slt.u32 s12, $0x2;
	(pc) =	sbr.rel @!p1 .LBB2_6-.Ltmp1, $4  }
0x1d: {  	s14 =	simm.s32 @!p0 $0x3  }
0x1e: {  	_ =	swait.ge @!p0 [sflag:s14], $0x190  }
0x1f: {  	s16 =	sadd.s32 $0x1, s12;
	s13 =	smov.u32 s11;
	[sflag:s14] =	ssyncset.done @!p0 $0x0  }
0x20: {  	s12 =	smov.u32 s16;
	s11 =	smov.u32 s15;
	[sflag:s14] =	ssyncadd.s32 @!p0 $0xFFFFFE70  }
.LBB2_1:
0x21: {  	p0 =	sge.u32 s12, s7  }
0x22: {  	s14 =	sxor.u32 @!p0 $0x1, s12  }
0x23: {  	s14 =	smul.u32 @!p0 $0x640, s14  }
0x24: {  	s31 =	sadd.s32 $0xFFFFFFFF, s12;
	s15 =	sshrl.u32 @!p0 s11, $0x3  }
0x25: {  	s16 =	sand.u32 @!p0 $0x7, s11;
	s15 =	sadd.s32 @!p0 s8, s15;
	s14 =	sshra.s32 @!p0 s14, $0x2  }
0x26: {  	[tilespmem:s14], [sflag:$0x2] =	stream.linear.gather @!p0 [hbm4b:s15+s16], $0x190, $0x38;
	[tilespmem:$0x640] =	vst v63  }
0x27: {  	p0 =	sge.u32 s31, s7  }
.Ltmp2:
0x28: {  	_ = 	snop;
	(pc) =	sbr.rel @p0 .LBB2_5-.Ltmp2, $1  }
0x29: {  	_ =	sdelay $0x3  }
0x2a: {  	s14 =	sand.u32 $0x1, s12  }
0x2b: {  	_ =	swait.ge [sflag:s6], $0x190;
	p0 =	seq.s32 s14, $0x1;
	s14 =	simm.s32 $0x190  }
0x2c: {  	[sflag:s6] =	ssyncset.done $0x0;
	s14 =	simm.s32 @!p0 $0x0  }
0x2d: {  	[sflag:s6] =	ssyncadd.s32 $0xFFFFFE70;
	(ifvalue) =	ssetifvalue $0x7FFFFFFF;
	v0 =	vld.msk [tilespmem:s14+$0x0 ss:$0x1], $0xffff;
	_ =	sdelay $0x4  }
0x2e: {  	s15 =	sadd.s32 $0x10, s14;
	vm1 =	vgt.s32 v0, $0x0  }
0x2f: {  	v2 =	vld.msk [tilespmem:s15+$0x0 ss:$0x1], $0xffff;
	v1 =	vnsel vm1, $0x0, v0  }
0x30: {  	v1 =	vmin.u32 v1, $0x270F;
	_ =	sdelay $0x2  }
0x31: {  	s17 =	simm.s32 $0x20;
	s14 =	sadd.s32 $0x320, s14;
	s16 =	sadd.s32 $0x10, s15  }
0x32: {  	s15 =	sadd.s32 $0x10, s14;
	s18 =	smov.u32 s14;
	v0 =	vld.msk [tilespmem:s16+$0x0 ss:$0x1], $0xffff;
	vm1 =	vgt.s32 v2, $0x0;
	(ifvalue) =	ssetifvalue $0x7FFFFFFF  }
.LBB2_3:
0x33: {  	[tilespmem:s18], [sflag:$0x1] =	stream.indirect_vreg.gather [hbm4b:s2+s10], $0x1, v1, vm0, $0x4038;
	[tilespmem:$0x640] =	vst v63  }
0x34: {  	s17 =	sadd.s32 $0x10, s17  }
0x35: {  	v2 =	vnsel vm1, $0x0, v2;
	p0 =	slt.u32 s17, $0x180  }
.Ltmp3:
0x36: {  	s18 =	smov.u32 s15;
	v1 =	vmin.u32 v2, $0x270F;
	(pc) =	sbr.rel @p0 .LBB2_3-.Ltmp3, $3  }
0x37: {  	_ =	sdelay $0x1  }
0x38: {  	s16 =	sadd.s32 $0x10, s16  }
0x39: {  	vm1 =	vgt.s32 v0, $0x0;
	s15 =	sadd.s32 $0x10, s15;
	v2 =	vmov v0;
	(ifvalue) =	ssetifvalue $0x7FFFFFFF;
	v0 =	vld.msk [tilespmem:s16+$0x0 ss:$0x1], $0xffff  }
.Ltmp4:
0x3a: {  	_ = 	snop;
	(pc) =	sbr.rel .LBB2_4-.Ltmp4, $1  }
0x3b: {  	_ =	sdelay $0x3  }
.LBB2_6:
0x3c: {  	_ =	sfence.sel $0x180000  }
0x3d: {  	s2 =	simm.s32 $0x2;
	[bflag:$0x0] =	sbarrier.arrive $0xFFFF  }
0x3e: {  	s30 =	simm.s32 $0x3;
	[sflag:s2] =	ssyncpa.u1 $0x1  }
0x3f: {  	s31 =	simm.s32 $0x1;
	[sflag:s30] =	ssyncpa.u1 $0x1  }
0x40: {  	[sflag:s31] =	ssyncpa.u1 $0x1  }
0x41: {  	p0 =	sne.s32 s1, $0x0;
	_ =	strace $0x9000004D  }
0x42: {  	s0 =	sadd.s32 @!p0 $0x100000, s0;
	[bflag:$0x2] =	sbarrier.arrive $0xFFFF  }
0x43: {  	[sflag:s0] =	ssyncadd.tile.s32 @!p0 $0x1;
	_ =	shalt  }
.Lfunc_end2:
_tile_overlayer_lowered:
.L_overlay_start_2:
0x44: {  	(tag) =	ssettag $0x2  }
0x45: {  	s0 =	rddreg [dreg:$0x0];
	s2 =	stileid.u32  }
0x46: {  	s1 =	rddreg [dreg:$0x1];
	p0 =	sne.s32 s2, $0x0  }
0x47: {  	s3 =	rddreg [dreg:$0x2];
	[bflag:$0x3] =	sbarrier.arrive $0xFFFF;
	s2 =	simm.s32 @!p0 $0x1C01  }
0x48: {  	[timem:s3], [sflag:s2] =	dma.local @!p0 [hbm:s0], s1  }
0x49: {  	s0 =	simm.s32 @!p0 $0x1  }
0x4a: {  	_ =	swait.ge @!p0 [sflag:s0], s1  }
0x4b: {  	s1 =	ssub.s32 @!p0 $0x0, s1;
	[sflag:s0] =	ssyncset.done @!p0 $0x0  }
0x4c: {  	[sflag:s0] =	ssyncadd.s32 @!p0 s1  }
0x4d: {  	[bflag:$0x3] =	sbarrier.arrive $0xFFFF  }
0x4e: {  	_ =	shalt  }

// kernel: gather_offload_async_start
scs
__scs_entry_jumppad:
0x0: {  	(pc) =	sbr.rel $0x88, $3  }
0x1: {  	(tag) =	ssettag $0x0;
	lr =	simm.s32 $0x1  }
0x2: {  	[smem:$0x3F9C] =	sst lr;
	_ =	strace $0xD0000000  }
0x3: {  	_ = 	snop  }
0x4: {  	_ = 	snop  }
0x5: {  	_ = 	snop  }
0x6: {  	_ = 	snop  }
0x7: {  	_ = 	snop  }
__scs_overlays_trampoline_lowered:
0x8: {  	[smem:$0x3FAB] =	sst s0  }
0x9: {  	[smem:$0x3FAC] =	sst s1  }
0xa: {  	[smem:$0x3FAD] =	sst s2  }
0xb: {  	[smem:$0x3FAE] =	sst s3  }
0xc: {  	[smem:$0x3FAF] =	sst s4  }
0xd: {  	[smem:$0x3FB0] =	sst s5  }
0xe: {  	[smem:$0x3FB1] =	sst s6  }
0xf: {  	[smem:$0x3FB2] =	sst s7  }
0x10: {  	[smem:$0x3FB3] =	sst s8  }
0x11: {  	[smem:$0x3FB4] =	sst s9;
	s0 =	simm.s32 @!p0 $0x0  }
0x12: {  	s1 =	sld [smem:$0x3F9A];
	s0 =	simm.s32 @p0 $0x1  }
0x13: {  	[smem:$0x3FB5] =	sst s0;
	s0 =	simm.s32 @!p1 $0x0  }
0x14: {  	s2 =	sld [smem:$0x3F99];
	s0 =	simm.s32 @p1 $0x1  }
0x15: {  	[smem:$0x3FB6] =	sst s0;
	s0 =	simm.s32 @!p2 $0x0  }
0x16: {  	s3 =	sld [smem:$0x3FDB];
	s0 =	simm.s32 @p2 $0x1  }
0x17: {  	s4 =	simm.s32 $0x1BF5;
	[smem:$0x3FB8] =	sst s0  }
0x18: {  	s0 =	sld [smem:$0x3F9B];
	_ =	swait.ge [sflag:s4], $0x0  }
0x19: {  	s7 =	sld [smem:$0x3F9C]  }
0x1a: {  	s8 =	sadd.s32 $0xFFFFE003, lr  }
0x1b: {  	s9 =	sadd.s32 $0xFFFFFEF7, lr;
	s5 =	simm.s32 $0xFFFFFFFF;
	p2 =	slt.u32 s8, $0xFFFFF086  }
0x1c: {  	p1 =	slt.u32 s9, $0xF7A;
	s5 =	simm.s32 @!p2 $0x0  }
0x1d: {  	s5 =	simm.s32 @p1 $0x1;
	p0 =	seq.s32 s7, s2  }
0x1e: {  	s7 =	smul.u32 @!p0 $0xF7A, s2;
	p2 =	seq.s32 @!p0 s5, $0x0  }
0x1f: {  	s9 =	smul.u32 $0xF7A, s1;
	s8 =	simm.s32 @!p0 $0x1BF5;
	p2 =	por !p2, p0  }
0x20: {  	[sflag:s8] =	ssyncset.s32 @!p0 $0xFFFFF086;
	s6 =	sadd.s32 @!p0 s3, s7;
	s7 =	simm.s32 @!p0 $0x108  }
0x21: {  	s3 =	sadd.s32 s3, s9;
	s6 =	sadd.s32 @!p0 $0x88, s6;
	s7 =	simm.s32 @p2 $0x1082  }
0x22: {  	[simem:s7], [sflag:s8] =	dma.local @!p0 [hbm:s6], $0xF7A  }
0x23: {  	s9 =	sor.u32 $0xD0000000, s2;
	s6 =	simm.s32 $0x108;
	_ =	swait.ge @!p0 [sflag:s8], $0x0  }
0x24: {  	s3 =	sadd.s32 $0x88, s3;
	s6 =	simm.s32 @!p1 $0x1082;
	[sflag:s4] =	ssyncset.s32 $0xFFFFF086  }
0x25: {  	[simem:s6], [sflag:s4] =	dma.local [hbm:s3], $0xF7A  }
0x26: {  	[smem:$0x3F9C] =	sst s1;
	(tag) =	ssettag s2;
	_ =	strace s9  }
0x27: {  	s1 =	sld [smem:$0x3FAC]  }
0x28: {  	s2 =	sld [smem:$0x3FAD]  }
0x29: {  	s4 =	sld [smem:$0x3FAF]  }
0x2a: {  	p0 =	seq.s32 s5, $0x0;
	s5 =	sld [smem:$0x3FB0]  }
0x2b: {  	s6 =	sld [smem:$0x3FB1]  }
0x2c: {  	s7 =	sld [smem:$0x3FB2]  }
0x2d: {  	s3 =	simm.s32 $0x108;
	s8 =	sld [smem:$0x3FB3]  }
0x2e: {  	s3 =	simm.s32 @!p0 $0x1082;
	s9 =	sld [smem:$0x3FB4]  }
0x2f: {  	lr =	sadd.s32 s0, s3;
	s0 =	sld [smem:$0x3FAB]  }
0x30: {  	s3 =	sld [smem:$0x3FAE]  }
0x31: {  	[smem:$0x3FB7] =	sst s10  }
0x32: {  	s10 =	sld [smem:$0x3FB5];
	_ =	sdelay $0x3  }
0x33: {  	p0 =	seq.s32 s10, $0x1;
	s10 =	sld [smem:$0x3FB7];
	_ =	sdelay $0x3  }
0x34: {  	[smem:$0x3FB7] =	sst s10  }
0x35: {  	s10 =	sld [smem:$0x3FB6];
	_ =	sdelay $0x3  }
0x36: {  	p1 =	seq.s32 s10, $0x1;
	s10 =	sld [smem:$0x3FB7];
	_ =	sdelay $0x3  }
0x37: {  	[smem:$0x3FB7] =	sst s10  }
0x38: {  	s10 =	sld [smem:$0x3FB8]  }
0x39: {  	_ = 	snop;
	(pc) =	sbr.ind lr, $3  }
0x3a: {  	_ = 	snop  }
0x3b: {  	_ = 	snop  }
0x3c: {  	p2 =	seq.s32 s10, $0x1;
	s10 =	sld [smem:$0x3FB7]  }
0x3d: {  	_ =	shalt  }
0x3e: {  	_ =	shalt  }
0x3f: {  	_ =	shalt  }
0x40: {  	_ =	shalt  }
0x41: {  	_ =	shalt  }
0x42: {  	_ =	shalt  }
0x43: {  	_ =	shalt  }
0x44: {  	_ =	shalt  }
0x45: {  	_ =	shalt  }
0x46: {  	_ =	shalt  }
0x47: {  	_ =	shalt  }
0x48: {  	_ =	shalt  }
0x49: {  	_ =	shalt  }
0x4a: {  	_ =	shalt  }
0x4b: {  	_ =	shalt  }
0x4c: {  	_ =	shalt  }
0x4d: {  	_ =	shalt  }
0x4e: {  	_ =	shalt  }
0x4f: {  	_ =	shalt  }
0x50: {  	_ =	shalt  }
0x51: {  	_ =	shalt  }
0x52: {  	_ =	shalt  }
0x53: {  	_ =	shalt  }
0x54: {  	_ =	shalt  }
0x55: {  	_ =	shalt  }
0x56: {  	_ =	shalt  }
0x57: {  	_ =	shalt  }
0x58: {  	_ =	shalt  }
0x59: {  	_ =	shalt  }
0x5a: {  	_ =	shalt  }
0x5b: {  	_ =	shalt  }
0x5c: {  	_ =	shalt  }
0x5d: {  	_ =	shalt  }
0x5e: {  	_ =	shalt  }
0x5f: {  	_ =	shalt  }
0x60: {  	_ =	shalt  }
0x61: {  	_ =	shalt  }
0x62: {  	_ =	shalt  }
0x63: {  	_ =	shalt  }
0x64: {  	_ =	shalt  }
0x65: {  	_ =	shalt  }
0x66: {  	_ =	shalt  }
0x67: {  	_ =	shalt  }
0x68: {  	_ =	shalt  }
0x69: {  	_ =	shalt  }
0x6a: {  	_ =	shalt  }
0x6b: {  	_ =	shalt  }
0x6c: {  	_ =	shalt  }
0x6d: {  	_ =	shalt  }
0x6e: {  	_ =	shalt  }
0x6f: {  	_ =	shalt  }
0x70: {  	_ =	shalt  }
0x71: {  	_ =	shalt  }
0x72: {  	_ =	shalt  }
0x73: {  	_ =	shalt  }
0x74: {  	_ =	shalt  }
0x75: {  	_ =	shalt  }
0x76: {  	_ =	shalt  }
0x77: {  	_ =	shalt  }
0x78: {  	_ =	shalt  }
0x79: {  	_ =	shalt  }
0x7a: {  	_ =	shalt  }
0x7b: {  	_ =	shalt  }
0x7c: {  	_ =	shalt  }
0x7d: {  	_ =	shalt  }
0x7e: {  	_ =	shalt  }
0x7f: {  	_ =	shalt  }
0x80: {  	_ =	shalt  }
0x81: {  	_ =	shalt  }
0x82: {  	_ =	shalt  }
0x83: {  	_ =	shalt  }
0x84: {  	_ =	shalt  }
0x85: {  	_ =	shalt  }
0x86: {  	_ =	shalt  }
0x87: {  	_ =	shalt  }
.Lfunc_end0:
.L_simem_size_0:
called_computation.1_lowered:
.L_overlay_start_0:
0x88: {  	s2 =	sld [smem:$0x3FD9]  }
0x89: {  	s3 =	sld [smem:$0x3FFE];
	_ =	sdelay $0x1  }
0x8a: {  	s1 =	srdreg.scid  }
0x8b: {  	s0 =	sand.u32 $0x1, s1  }
0x8c: {  	s17 =	sshll.u32 s0, $0xA;
	s2 =	sadd.s32 s3, s2  }
0x8d: {  	s2 =	sadd.s32 s2, s17  }
0x8e: {  	[smem:$0x3FC3] =	sst s2  }
0x8f: {  	_ = 	snop  }
0x90: {  	s2 =	sld [smem:$0x3FD0];
	(tm) =	ssettm $0x1  }
0x91: {  	s18 =	sld [smem:$0x3FFB];
	_ =	sdelay $0x3  }
0x92: {  	_ =	strace s18  }
0x93: {  	s3 =	sld [smem:$0x3FFC];
	_ =	sdelay $0x3  }
0x94: {  	_ =	strace s3  }
0x95: {  	s3 =	sld [smem:$0x3FFD];
	_ =	sdelay $0x3  }
0x96: {  	_ =	strace s3  }
0x97: {  	_ =	strace $0x8FFFFFFF  }
0x98: {  	s19 =	sld [smem:$0x3FDB];
	_ =	sdelay $0x1  }
0x99: {  	s4 =	simm.s32 $_scs_section_size  }
0x9a: {  	s5 =	simm.s32 $_size__tile_overlayer_lowered;
	s6 =	simm.s32 $_tile_overlayer_lowered  }
0x9b: {  	s22 =	simm.s32 $0x1BFF;
	s21 =	sshll.u32 s6, $0x1;
	s3 =	sadd.s32 s4, s19  }
0x9c: {  	s7 =	simm.s32 $0x0;
	s20 =	sshll.u32 s5, $0x1;
	s5 =	sadd.s32 s21, s3  }
0x9d: {  	[timem:s7], [sflag:s22] =	dma.local [hbm:s5], s20  }
0x9e: {  	_ =	swait.ge [sflag:s22], s20  }
0x9f: {  	s4 =	ssub.s32 $0x0, s20;
	[sflag:s22] =	ssyncset.done $0x0  }
0xa0: {  	[sflag:s22] =	ssyncadd.s32 s4;
	_ =	sdelay $0x1  }
0xa1: {  	s23 =	simm.s32 $0x1B8B  }
0xa2: {  	_ =	swait.ge [sflag:s23], $0x1  }
0xa3: {  	[sflag:s23] =	ssyncset.done $0x0  }
0xa4: {  	s25 =	simm.s32 $0x1B8E;
	s24 =	sld [smem:$0x3FFE];
	[sflag:s23] =	ssyncadd.s32 $0xFFFFFFFF  }
0xa5: {  	s26 =	simm.s32 $execute0_lowered;
	[smem:$0x3FD2] =	sst s25  }
0xa6: {  	s5 =	sshll.u32 s26, $0x1;
	_ =	strace $0x80000058;
	[dreg:$0x1] =	wrdreg $0xFFFFFFFF  }
0xa7: {  	s28 =	simm.s32 $_size_execute0_lowered;
	s3 =	sadd.s32 s3, s5;
	[dreg:$0x0] =	wrdreg $0x0  }
0xa8: {  	s5 =	sshll.u32 s28, $0x1;
	[dreg:$0x2] =	wrdreg s3  }
0xa9: {  	[dreg:$0x3] =	wrdreg s5  }
0xaa: {  	[dreg:$0x4] =	wrdreg $0xC0  }
0xab: {  	_ =	task [dreg:s7], $0x5FFFF  }
0xac: {  	[dreg:$0x1] =	wrdreg $0xFFFFFFFF  }
0xad: {  	[dreg:$0x0] =	wrdreg $0x60  }
0xae: {  	[dreg:$0x2] =	wrdreg s24  }
0xaf: {  	[dreg:$0x3] =	wrdreg s2  }
0xb0: {  	[dreg:$0x4] =	wrdreg $0x9  }
0xb1: {  	_ =	task.clear_ibuf [dreg:s7], $0x5FFFF;
	_ =	strace $0x90000058  }
0xb2: {  	s29 =	simm.s32 $0x9;
	_ =	strace $0x8000005A  }
0xb3: {  	_ =	swait.ge [sflag:s29], $0x1  }
0xb4: {  	[sflag:s29] =	ssyncadd.s32 $0xFFFFFFFF  }
0xb5: {  	_ =	strace $0x9000005A  }
0xb6: {  	_ =	sfence  }
0xb7: {  	s30 =	sld [smem:$0x0];
	_ =	sdelay $0x2  }
0xb8: {  	s31 =	sshll.u32 s1, $0xD;
	s1 =	sshrl.u32 s1, $0x2  }
0xb9: {  	s3 =	sand.u32 $0x4000, s31;
	s1 =	sadd.s32 s1, s30  }
0xba: {  	s0 =	sor.u32 s3, s0;
	s1 =	sshll.u32 s1, $0x11  }
0xbb: {  	s0 =	sor.u32 s1, s0  }
0xbc: {  	s0 =	sadd.s32 $0x8F2B, s0  }
0xbd: {  	[sflag:s0] =	ssyncadd.remote.s32 $0x1  }
0xbe: {  	_ =	sfence.sel $0xFFFF  }
0xbf: {  	[dreg:$0x0] =	wrdreg $0xFFFFFFFF;
	(pc) =	sbr.abs _section_cstart, $3  }
0xc0: {  	[dreg:$0x1] =	wrdreg $0xFFFFFFFF  }
0xc1: {  	_ =	task.clear_ibuf [dreg:s7], $0x2FFFF;
	_ =	strace $0x9FFFFFFF  }
0xc2: {  	(tm) =	ssettm $0x7FFFFFFF  }
0xc3: {  	_ =	shalt  }
tec
execute0_lowered:
.L_overlay_start_1:
0x0: {  	(tag) =	ssettag $0x1  }
0x1: {  	s1 =	srdreg.scid;
	s2 =	rddreg [dreg:$0x0]  }
0x2: {  	s0 =	stileid.u32;
	s3 =	rddreg [dreg:$0x1]  }
0x3: {  	s6 =	simm.s32 $0x1;
	s9 =	simm.s32 $0x1;
	s1 =	sshll.u32 s1, $0xA  }
0x4: {  	s10 =	simm.s32 $0x3;
	s4 =	sshll.u32 s0, $0xB;
	s5 =	sand.u32 $0x400, s1  }
0x5: {  	s13 =	simm.s32 $0x0;
	s12 =	simm.s32 $0x0;
	s4 =	sor.u32 s4, s5  }
0x6: {  	s1 =	rddreg [dreg:$0x2];
	_ =	strace $0x80000059;
	s8 =	ssub.s32 $0xA000, s4  }
.Ltmp0:
0x7: {  	s5 =	sadd.s32 $0x8600, s2;
	s7 =	sand.u32 $0x7C00, s8;
	(pc) =	sbr.rel .LBB2_1-.Ltmp0, $4  }
0x8: {  	[sflag:s6] =	ssyncpa.u1 $0x0;
	s11 =	smov.u32 s4;
	p0 =	sne.s32 s7, $0x0  }
0x9: {  	s8 =	sshrl.u32 s8, $0xF;
	s7 =	simm.s32 $0x2;
	s9 =	simm.s32 @!p0 $0x0  }
0xa: {  	[sflag:s7] =	ssyncpa.u1 $0x0;
	p0 =	por $0x0, $0x0;
	s8 =	sadd.s32 s9, s8  }
0xb: {  	vm0 =	vmmov $0xffff;
	[sflag:s10] =	ssyncpa.u1 $0x0;
	s10 =	simm.s32 $0x0;
	s9 =	sadd.s32 $0x1, s8  }
.LBB2_4:
0xc: {  	v2 =	vnsel vm1, $0x0, v2  }
0xd: {  	vm1 =	vgt.s32 v0, $0x0;
	v2 =	vmin.u32 v2, $0x270FF  }
0xe: {  	v0 =	vnsel vm1, $0x0, v0  }
0xf: {  	v0 =	vmin.u32 v0, $0x270FF  }
0x10: {  	[tilespmem:s15], [sflag:$0x1] =	stream.indirect_vreg.gather [hbm4b:s5+s10], $0x1, v1, vm0, $0x4038;
	[tilespmem:$0x1000] =	vst v63  }
0x11: {  	(ifvalue) =	ssetifvalue $0x7FFFFFFF  }
0x12: {  	[tilespmem:s16], [sflag:$0x1] =	stream.indirect_vreg.gather [hbm4b:s5+s10], $0x1, v2, vm0, $0x4038;
	[tilespmem:$0x1000] =	vst v63  }
0x13: {  	s29 =	sadd.s32 $0x10, s16;
	(ifvalue) =	ssetifvalue $0x7FFFFFFF  }
0x14: {  	[tilespmem:s29], [sflag:$0x1] =	stream.indirect_vreg.gather [hbm4b:s5+s10], $0x1, v0, vm0, $0x4038;
	[tilespmem:$0x1000] =	vst v63  }
0x15: {  	_ =	swait.ge [sflag:s6], $0x400  }
0x16: {  	s30 =	sshrl.u32 s13, $0x3;
	[sflag:s6] =	ssyncset.done $0x0  }
0x17: {  	s31 =	sand.u32 $0x7, s13;
	s15 =	sadd.s32 s2, s30;
	[sflag:s6] =	ssyncadd.s32 $0xFFFFFC00  }
0x18: {  	[hbm4b:s15+s31] =	stream.linear.scatter [tilespmem:s14], [sflag:$0x3], $0x400, $0x38;
	[tilespmem:$0x1000] =	vst v63  }
.LBB2_5:
0x19: {  	s15 =	sadd.s32 $0x8000, s11  }
0x1a: {  	p2 =	sgt.s32 s15, $0x9FFF  }
0x1b: {  	s15 =	smov.u32 @p2 s4;
	p2 =	sne.s32 s12, s9  }
.Ltmp1:
0x1c: {  	p1 =	slt.u32 s12, $0x2;
	(pc) =	sbr.rel @!p2 .LBB2_6-.Ltmp1, $4  }
0x1d: {  	s14 =	simm.s32 @!p1 $0x3  }
0x1e: {  	s16 =	sadd.s32 $0x1, s12;
	_ =	swait.ge @!p1 [sflag:s14], $0x400  }
0x1f: {  	s13 =	smov.u32 s11;
	p0 =	por !p0, !p0;
	[sflag:s14] =	ssyncset.done @!p1 $0x0  }
0x20: {  	s12 =	smov.u32 s16;
	s11 =	smov.u32 s15;
	[sflag:s14] =	ssyncadd.s32 @!p1 $0xFFFFFC00  }
.LBB2_1:
0x21: {  	p1 =	sge.u32 s12, s8  }
0x22: {  	s14 =	sxor.u32 @!p1 $0xFFFFFFFF, s12  }
0x23: {  	s31 =	sadd.s32 $0xFFFFFFFF, s12;
	s15 =	sshrl.u32 @!p1 s11, $0x3;
	s14 =	sshll.u32 @!p1 s14, $0xA  }
0x24: {  	s16 =	sand.u32 @!p1 $0x7, s11;
	s15 =	sadd.s32 @!p1 s3, s15;
	s14 =	sand.u32 @!p1 $0x400, s14  }
0x25: {  	[tilespmem:s14], [sflag:$0x2] =	stream.linear.gather @!p1 [hbm4b:s15+s16], $0x400, $0x38;
	[tilespmem:$0x1000] =	vst v63  }
0x26: {  	p1 =	sge.u32 s31, s8  }
.Ltmp2:
0x27: {  	_ = 	snop;
	(pc) =	sbr.rel @p1 .LBB2_5-.Ltmp2, $1  }
0x28: {  	_ =	sdelay $0x3  }
0x29: {  	s14 =	simm.s32 $0x1  }
0x2a: {  	_ =	swait.ge [sflag:s7], $0x400;
	s14 =	simm.s32 @!p0 $0x0  }
0x2b: {  	[sflag:s7] =	ssyncset.done $0x0;
	s14 =	sshll.u32 s14, $0xA  }
0x2c: {  	[sflag:s7] =	ssyncadd.s32 $0xFFFFFC00;
	(ifvalue) =	ssetifvalue $0x7FFFFFFF;
	v0 =	vld.msk [tilespmem:s14+$0x0 ss:$0x1], $0xffff;
	_ =	sdelay $0x4  }
0x2d: {  	s15 =	sadd.s32 $0x10, s14;
	vm1 =	vgt.s32 v0, $0x0  }
0x2e: {  	v2 =	vld.msk [tilespmem:s15+$0x0 ss:$0x1], $0xffff;
	v1 =	vnsel vm1, $0x0, v0  }
0x2f: {  	v1 =	vmin.u32 v1, $0x270FF;
	_ =	sdelay $0x1  }
0x30: {  	s16 =	sshll.u32 s12, $0xA;
	s18 =	simm.s32 $0x20  }
0x31: {  	s16 =	sand.u32 $0x400, s16;
	s17 =	sadd.s32 $0x10, s15;
	s15 =	sor.u32 $0x800, s14  }
0x32: {  	s14 =	sor.u32 $0x800, s16;
	s16 =	sadd.s32 $0x10, s15;
	v0 =	vld.msk [tilespmem:s17+$0x0 ss:$0x1], $0xffff;
	vm1 =	vgt.s32 v2, $0x0;
	(ifvalue) =	ssetifvalue $0x7FFFFFFF  }
.LBB2_3:
0x33: {  	[tilespmem:s15], [sflag:$0x1] =	stream.indirect_vreg.gather [hbm4b:s5+s10], $0x1, v1, vm0, $0x4038;
	[tilespmem:$0x1000] =	vst v63  }
0x34: {  	s18 =	sadd.s32 $0x10, s18  }
0x35: {  	v2 =	vnsel vm1, $0x0, v2;
	p1 =	slt.u32 s18, $0x3F0  }
.Ltmp3:
0x36: {  	s15 =	smov.u32 s16;
	v1 =	vmin.u32 v2, $0x270FF;
	(pc) =	sbr.rel @p1 .LBB2_3-.Ltmp3, $3  }
0x37: {  	_ =	sdelay $0x1  }
0x38: {  	s17 =	sadd.s32 $0x10, s17  }
0x39: {  	vm1 =	vgt.s32 v0, $0x0;
	s16 =	sadd.s32 $0x10, s16;
	v2 =	vmov v0;
	(ifvalue) =	ssetifvalue $0x7FFFFFFF;
	v0 =	vld.msk [tilespmem:s17+$0x0 ss:$0x1], $0xffff  }
.Ltmp4:
0x3a: {  	_ = 	snop;
	(pc) =	sbr.rel .LBB2_4-.Ltmp4, $1  }
0x3b: {  	_ =	sdelay $0x3  }
.LBB2_6:
0x3c: {  	_ =	sfence.sel $0x180000  }
0x3d: {  	s2 =	simm.s32 $0x2;
	[bflag:$0x0] =	sbarrier.arrive $0xFFFF  }
0x3e: {  	s30 =	simm.s32 $0x3;
	[sflag:s2] =	ssyncpa.u1 $0x1  }
0x3f: {  	s31 =	simm.s32 $0x1;
	[sflag:s30] =	ssyncpa.u1 $0x1  }
0x40: {  	[sflag:s31] =	ssyncpa.u1 $0x1  }
0x41: {  	p0 =	sne.s32 s0, $0x0;
	_ =	strace $0x90000059  }
0x42: {  	s0 =	sadd.s32 @!p0 $0x100000, s1;
	[bflag:$0x2] =	sbarrier.arrive $0xFFFF  }
0x43: {  	[sflag:s0] =	ssyncadd.tile.s32 @!p0 $0x1;
	_ =	shalt  }
.Lfunc_end2:
_tile_overlayer_lowered:
.L_overlay_start_2:
0x44: {  	(tag) =	ssettag $0x2  }
0x45: {  	s0 =	rddreg [dreg:$0x0];
	s2 =	stileid.u32  }
0x46: {  	s1 =	rddreg [dreg:$0x1];
	p0 =	sne.s32 s2, $0x0  }
0x47: {  	s3 =	rddreg [dreg:$0x2];
	[bflag:$0x3] =	sbarrier.arrive $0xFFFF;
	s2 =	simm.s32 @!p0 $0x1C01  }
0x48: {  	[timem:s3], [sflag:s2] =	dma.local @!p0 [hbm:s0], s1  }
0x49: {  	s0 =	simm.s32 @!p0 $0x1  }
0x4a: {  	_ =	swait.ge @!p0 [sflag:s0], s1  }
0x4b: {  	s1 =	ssub.s32 @!p0 $0x0, s1;
	[sflag:s0] =	ssyncset.done @!p0 $0x0  }
0x4c: {  	[sflag:s0] =	ssyncadd.s32 @!p0 s1  }
0x4d: {  	[bflag:$0x3] =	sbarrier.arrive $0xFFFF  }
0x4e: {  	_ =	shalt  }

// kernel: scatter_offload_async_start
scs
__scs_entry_jumppad:
0x0: {  	(pc) =	sbr.rel $0x88, $3  }
0x1: {  	(tag) =	ssettag $0x0;
	lr =	simm.s32 $0x1  }
0x2: {  	[smem:$0x3F9C] =	sst lr;
	_ =	strace $0xD0000000  }
0x3: {  	_ = 	snop  }
0x4: {  	_ = 	snop  }
0x5: {  	_ = 	snop  }
0x6: {  	_ = 	snop  }
0x7: {  	_ = 	snop  }
__scs_overlays_trampoline_lowered:
0x8: {  	[smem:$0x3FAB] =	sst s0  }
0x9: {  	[smem:$0x3FAC] =	sst s1  }
0xa: {  	[smem:$0x3FAD] =	sst s2  }
0xb: {  	[smem:$0x3FAE] =	sst s3  }
0xc: {  	[smem:$0x3FAF] =	sst s4  }
0xd: {  	[smem:$0x3FB0] =	sst s5  }
0xe: {  	[smem:$0x3FB1] =	sst s6  }
0xf: {  	[smem:$0x3FB2] =	sst s7  }
0x10: {  	[smem:$0x3FB3] =	sst s8  }
0x11: {  	[smem:$0x3FB4] =	sst s9;
	s0 =	simm.s32 @!p0 $0x0  }
0x12: {  	s1 =	sld [smem:$0x3F9A];
	s0 =	simm.s32 @p0 $0x1  }
0x13: {  	[smem:$0x3FB5] =	sst s0;
	s0 =	simm.s32 @!p1 $0x0  }
0x14: {  	s2 =	sld [smem:$0x3F99];
	s0 =	simm.s32 @p1 $0x1  }
0x15: {  	[smem:$0x3FB6] =	sst s0;
	s0 =	simm.s32 @!p2 $0x0  }
0x16: {  	s3 =	sld [smem:$0x3FDB];
	s0 =	simm.s32 @p2 $0x1  }
0x17: {  	s4 =	simm.s32 $0x1BF5;
	[smem:$0x3FB8] =	sst s0  }
0x18: {  	s0 =	sld [smem:$0x3F9B];
	_ =	swait.ge [sflag:s4], $0x0  }
0x19: {  	s7 =	sld [smem:$0x3F9C]  }
0x1a: {  	s8 =	sadd.s32 $0xFFFFE003, lr  }
0x1b: {  	s9 =	sadd.s32 $0xFFFFFEF7, lr;
	s5 =	simm.s32 $0xFFFFFFFF;
	p2 =	slt.u32 s8, $0xFFFFF086  }
0x1c: {  	p1 =	slt.u32 s9, $0xF7A;
	s5 =	simm.s32 @!p2 $0x0  }
0x1d: {  	s5 =	simm.s32 @p1 $0x1;
	p0 =	seq.s32 s7, s2  }
0x1e: {  	s7 =	smul.u32 @!p0 $0xF7A, s2;
	p2 =	seq.s32 @!p0 s5, $0x0  }
0x1f: {  	s9 =	smul.u32 $0xF7A, s1;
	s8 =	simm.s32 @!p0 $0x1BF5;
	p2 =	por !p2, p0  }
0x20: {  	[sflag:s8] =	ssyncset.s32 @!p0 $0xFFFFF086;
	s6 =	sadd.s32 @!p0 s3, s7;
	s7 =	simm.s32 @!p0 $0x108  }
0x21: {  	s3 =	sadd.s32 s3, s9;
	s6 =	sadd.s32 @!p0 $0x88, s6;
	s7 =	simm.s32 @p2 $0x1082  }
0x22: {  	[simem:s7], [sflag:s8] =	dma.local @!p0 [hbm:s6], $0xF7A  }
0x23: {  	s9 =	sor.u32 $0xD0000000, s2;
	s6 =	simm.s32 $0x108;
	_ =	swait.ge @!p0 [sflag:s8], $0x0  }
0x24: {  	s3 =	sadd.s32 $0x88, s3;
	s6 =	simm.s32 @!p1 $0x1082;
	[sflag:s4] =	ssyncset.s32 $0xFFFFF086  }
0x25: {  	[simem:s6], [sflag:s4] =	dma.local [hbm:s3], $0xF7A  }
0x26: {  	[smem:$0x3F9C] =	sst s1;
	(tag) =	ssettag s2;
	_ =	strace s9  }
0x27: {  	s1 =	sld [smem:$0x3FAC]  }
0x28: {  	s2 =	sld [smem:$0x3FAD]  }
0x29: {  	s4 =	sld [smem:$0x3FAF]  }
0x2a: {  	p0 =	seq.s32 s5, $0x0;
	s5 =	sld [smem:$0x3FB0]  }
0x2b: {  	s6 =	sld [smem:$0x3FB1]  }
0x2c: {  	s7 =	sld [smem:$0x3FB2]  }
0x2d: {  	s3 =	simm.s32 $0x108;
	s8 =	sld [smem:$0x3FB3]  }
0x2e: {  	s3 =	simm.s32 @!p0 $0x1082;
	s9 =	sld [smem:$0x3FB4]  }
0x2f: {  	lr =	sadd.s32 s0, s3;
	s0 =	sld [smem:$0x3FAB]  }
0x30: {  	s3 =	sld [smem:$0x3FAE]  }
0x31: {  	[smem:$0x3FB7] =	sst s10  }
0x32: {  	s10 =	sld [smem:$0x3FB5];
	_ =	sdelay $0x3  }
0x33: {  	p0 =	seq.s32 s10, $0x1;
	s10 =	sld [smem:$0x3FB7];
	_ =	sdelay $0x3  }
0x34: {  	[smem:$0x3FB7] =	sst s10  }
0x35: {  	s10 =	sld [smem:$0x3FB6];
	_ =	sdelay $0x3  }
0x36: {  	p1 =	seq.s32 s10, $0x1;
	s10 =	sld [smem:$0x3FB7];
	_ =	sdelay $0x3  }
0x37: {  	[smem:$0x3FB7] =	sst s10  }
0x38: {  	s10 =	sld [smem:$0x3FB8]  }
0x39: {  	_ = 	snop;
	(pc) =	sbr.ind lr, $3  }
0x3a: {  	_ = 	snop  }
0x3b: {  	_ = 	snop  }
0x3c: {  	p2 =	seq.s32 s10, $0x1;
	s10 =	sld [smem:$0x3FB7]  }
0x3d: {  	_ =	shalt  }
0x3e: {  	_ =	shalt  }
0x3f: {  	_ =	shalt  }
0x40: {  	_ =	shalt  }
0x41: {  	_ =	shalt  }
0x42: {  	_ =	shalt  }
0x43: {  	_ =	shalt  }
0x44: {  	_ =	shalt  }
0x45: {  	_ =	shalt  }
0x46: {  	_ =	shalt  }
0x47: {  	_ =	shalt  }
0x48: {  	_ =	shalt  }
0x49: {  	_ =	shalt  }
0x4a: {  	_ =	shalt  }
0x4b: {  	_ =	shalt  }
0x4c: {  	_ =	shalt  }
0x4d: {  	_ =	shalt  }
0x4e: {  	_ =	shalt  }
0x4f: {  	_ =	shalt  }
0x50: {  	_ =	shalt  }
0x51: {  	_ =	shalt  }
0x52: {  	_ =	shalt  }
0x53: {  	_ =	shalt  }
0x54: {  	_ =	shalt  }
0x55: {  	_ =	shalt  }
0x56: {  	_ =	shalt  }
0x57: {  	_ =	shalt  }
0x58: {  	_ =	shalt  }
0x59: {  	_ =	shalt  }
0x5a: {  	_ =	shalt  }
0x5b: {  	_ =	shalt  }
0x5c: {  	_ =	shalt  }
0x5d: {  	_ =	shalt  }
0x5e: {  	_ =	shalt  }
0x5f: {  	_ =	shalt  }
0x60: {  	_ =	shalt  }
0x61: {  	_ =	shalt  }
0x62: {  	_ =	shalt  }
0x63: {  	_ =	shalt  }
0x64: {  	_ =	shalt  }
0x65: {  	_ =	shalt  }
0x66: {  	_ =	shalt  }
0x67: {  	_ =	shalt  }
0x68: {  	_ =	shalt  }
0x69: {  	_ =	shalt  }
0x6a: {  	_ =	shalt  }
0x6b: {  	_ =	shalt  }
0x6c: {  	_ =	shalt  }
0x6d: {  	_ =	shalt  }
0x6e: {  	_ =	shalt  }
0x6f: {  	_ =	shalt  }
0x70: {  	_ =	shalt  }
0x71: {  	_ =	shalt  }
0x72: {  	_ =	shalt  }
0x73: {  	_ =	shalt  }
0x74: {  	_ =	shalt  }
0x75: {  	_ =	shalt  }
0x76: {  	_ =	shalt  }
0x77: {  	_ =	shalt  }
0x78: {  	_ =	shalt  }
0x79: {  	_ =	shalt  }
0x7a: {  	_ =	shalt  }
0x7b: {  	_ =	shalt  }
0x7c: {  	_ =	shalt  }
0x7d: {  	_ =	shalt  }
0x7e: {  	_ =	shalt  }
0x7f: {  	_ =	shalt  }
0x80: {  	_ =	shalt  }
0x81: {  	_ =	shalt  }
0x82: {  	_ =	shalt  }
0x83: {  	_ =	shalt  }
0x84: {  	_ =	shalt  }
0x85: {  	_ =	shalt  }
0x86: {  	_ =	shalt  }
0x87: {  	_ =	shalt  }
.Lfunc_end0:
.L_simem_size_0:
called_computation_lowered:
.L_overlay_start_0:
0x88: {  	s0 =	sld [smem:$0x3FD9]  }
0x89: {  	s1 =	sld [smem:$0x3FFE];
	_ =	sdelay $0x3  }
0x8a: {  	s0 =	sadd.s32 s1, s0  }
0x8b: {  	[smem:$0x3FC3] =	sst s0  }
0x8c: {  	_ = 	snop  }
0x8d: {  	s0 =	sld [smem:$0x3FD0];
	(tm) =	ssettm $0x1  }
0x8e: {  	s16 =	sld [smem:$0x3FFB];
	_ =	sdelay $0x3  }
0x8f: {  	_ =	strace s16  }
0x90: {  	s1 =	sld [smem:$0x3FFC];
	_ =	sdelay $0x3  }
0x91: {  	_ =	strace s1  }
0x92: {  	s1 =	sld [smem:$0x3FFD];
	_ =	sdelay $0x3  }
0x93: {  	_ =	strace s1  }
0x94: {  	_ =	strace $0x8FFFFFFF  }
0x95: {  	s17 =	sld [smem:$0x3FDB];
	_ =	sdelay $0x1  }
0x96: {  	s2 =	simm.s32 $_scs_section_size  }
0x97: {  	s3 =	simm.s32 $_size__tile_overlayer_lowered;
	s4 =	simm.s32 $_tile_overlayer_lowered  }
0x98: {  	s20 =	simm.s32 $0x1BFF;
	s19 =	sshll.u32 s4, $0x1;
	s1 =	sadd.s32 s2, s17  }
0x99: {  	s5 =	simm.s32 $0x0;
	s18 =	sshll.u32 s3, $0x1;
	s3 =	sadd.s32 s19, s1  }
0x9a: {  	[timem:s5], [sflag:s20] =	dma.local [hbm:s3], s18  }
0x9b: {  	_ =	swait.ge [sflag:s20], s18  }
0x9c: {  	s2 =	ssub.s32 $0x0, s18;
	[sflag:s20] =	ssyncset.done $0x0  }
0x9d: {  	[sflag:s20] =	ssyncadd.s32 s2;
	_ =	sdelay $0x1  }
0x9e: {  	s21 =	simm.s32 $0x1B8B  }
0x9f: {  	_ =	swait.ge [sflag:s21], $0x1  }
0xa0: {  	[sflag:s21] =	ssyncset.done $0x0  }
0xa1: {  	s23 =	simm.s32 $0x1B8E;
	s22 =	sld [smem:$0x3FFE];
	[sflag:s21] =	ssyncadd.s32 $0xFFFFFFFF  }
0xa2: {  	s24 =	simm.s32 $execute0_lowered;
	[smem:$0x3FD2] =	sst s23  }
0xa3: {  	s3 =	sshll.u32 s24, $0x1;
	_ =	strace $0x80000049;
	[dreg:$0x1] =	wrdreg $0xFFFFFFFF  }
0xa4: {  	s25 =	simm.s32 $_size_execute0_lowered;
	s1 =	sadd.s32 s1, s3;
	[dreg:$0x0] =	wrdreg $0x0  }
0xa5: {  	s3 =	sshll.u32 s25, $0x1;
	[dreg:$0x2] =	wrdreg s1  }
0xa6: {  	[dreg:$0x3] =	wrdreg s3  }
0xa7: {  	[dreg:$0x4] =	wrdreg $0xC0  }
0xa8: {  	_ =	task [dreg:s5], $0x5FFFF  }
0xa9: {  	[dreg:$0x1] =	wrdreg $0xFFFFFFFF  }
0xaa: {  	[dreg:$0x0] =	wrdreg $0x60  }
0xab: {  	[dreg:$0x2] =	wrdreg s22  }
0xac: {  	[dreg:$0x3] =	wrdreg s0  }
0xad: {  	[dreg:$0x4] =	wrdreg $0x9  }
0xae: {  	_ =	task.clear_ibuf [dreg:s5], $0x5FFFF;
	_ =	strace $0x90000049  }
0xaf: {  	s26 =	simm.s32 $0x9;
	_ =	strace $0x8000004B  }
0xb0: {  	_ =	swait.ge [sflag:s26], $0x1  }
0xb1: {  	[sflag:s26] =	ssyncadd.s32 $0xFFFFFFFF  }
0xb2: {  	_ =	strace $0x9000004B  }
0xb3: {  	_ =	sfence  }
0xb4: {  	s28 =	sld [smem:$0x0];
	_ =	sdelay $0x1  }
0xb5: {  	s29 =	srdreg.scid  }
0xb6: {  	s30 =	sshll.u32 s29, $0xD;
	s31 =	sshrl.u32 s29, $0x2  }
0xb7: {  	s2 =	sand.u32 $0x4000, s30;
	s1 =	sand.u32 $0x1, s29;
	s0 =	sadd.s32 s31, s28  }
0xb8: {  	s1 =	sor.u32 s2, s1;
	s0 =	sshll.u32 s0, $0x11  }
0xb9: {  	s0 =	sor.u32 s0, s1  }
0xba: {  	s0 =	sadd.s32 $0x8F2B, s0  }
0xbb: {  	[sflag:s0] =	ssyncadd.remote.s32 $0x1  }
0xbc: {  	_ =	sfence.sel $0xFFFF  }
0xbd: {  	[dreg:$0x0] =	wrdreg $0xFFFFFFFF;
	(pc) =	sbr.abs _section_cstart, $3  }
0xbe: {  	[dreg:$0x1] =	wrdreg $0xFFFFFFFF  }
0xbf: {  	_ =	task.clear_ibuf [dreg:s5], $0x2FFFF;
	_ =	strace $0x9FFFFFFF  }
0xc0: {  	(tm) =	ssettm $0x7FFFFFFF  }
0xc1: {  	_ =	shalt  }
tec
execute0_lowered:
.L_overlay_start_1:
0x0: {  	(tag) =	ssettag $0x1  }
0x1: {  	s7 =	rddreg [dreg:$0x0]  }
0x2: {  	s2 =	rddreg [dreg:$0x1]  }
0x3: {  	s0 =	rddreg [dreg:$0x2]  }
0x4: {  	_ =	strace $0x8000004A;
	s4 =	stileid.u32;
	s5 =	simm.s32 $0x3E  }
0x5: {  	s1 =	sadd.s32 $0x4F4800, s7;
	p0 =	sne.s32 s4, $0x0;
	[sflag:s5] =	ssyncpa.u1 $0x0  }
0x6: {  	s30 =	smin.u32 s4, $0x9;
	s3 =	simm.s32 @!p0 $0x1C3E;
	s6 =	simm.s32 @!p0 $0x0  }
0x7: {  	[spmem:s6], [sflag:s3] =	dma.local @!p0 [hbm:s1], $0x10  }
0x8: {  	s3 =	sadd.s32 s4, s30  }
0x9: {  	p1 =	slt.u32 s4, $0x9;
	s4 =	simm.s32 $0x320;
	s3 =	smul.u32 $0x190, s3  }
0xa: {  	s4 =	simm.s32 @!p1 $0x190  }
0xb: {  	s4 =	sadd.s32 s4, s3  }
0xc: {  	s4 =	smin.u32 s4, $0x2710  }
0xd: {  	s8 =	ssub.s32 s4, s3  }
0xe: {  	p1 =	sgt.s32 s8, $0x0  }
0xf: {  	s8 =	simm.s32 @!p1 $0x0  }
0x10: {  	s9 =	sand.u32 $0xFFF0, s8  }
0x11: {  	s9 =	sshrl.u32 s9, $0x4  }
0x12: {  	s6 =	simm.s32 @!p0 $0x3E;
	s31 =	smul.u32 $0xA3E, s9  }
0x13: {  	_ =	swait.ge @!p0 [sflag:s6], $0x10  }
0x14: {  	[sflag:s6] =	ssyncset.done @!p0 $0x0;
	s9 =	sshrl.u32 s31, $0x10  }
0x15: {  	s11 =	simm.s32 $0x0;
	[sflag:s6] =	ssyncadd.s32 @!p0 $0xFFFFFFF0;
	s10 =	smul.u32 $0x190, s9  }
.Ltmp0:
0x16: {  	s7 =	sadd.s32 $0x2800, s7;
	[bflag:$0x0] =	sbarrier.arrive $0xFFFF;
	(pc) =	sbr.rel .LBB2_1-.Ltmp0, $4  }
0x17: {  	s6 =	simm.s32 $0x2;
	[sflag:s5] =	ssyncpa.u1 $0x1;
	s5 =	simm.s32 $0x1  }
0x18: {  	[sflag:s5] =	ssyncpa.u1 $0x0;
	p1 =	sne.s32 s8, s10;
	s8 =	simm.s32 $0x1  }
0x19: {  	(ifvalue) =	ssetifvalue $0x80;
	[sflag:s6] =	ssyncpa.u1 $0x0;
	s8 =	simm.s32 @!p1 $0x0  }
0x1a: {  	vm0 =	vmmov $0xffff;
	s10 =	smov.u32 s3;
	s8 =	sadd.s32 s9, s8;
	s9 =	simm.s32 $0x0  }
.LBB2_5:
0x1b: {  	p2 =	sne.s32 s11, s8  }
.Ltmp1:
0x1c: {  	_ = 	snop;
	(pc) =	sbr.rel @!p2 .LBB2_6-.Ltmp1, $4  }
0x1d: {  	_ = 	snop  }
0x1e: {  	s12 =	sadd.s32 $0x190, s10  }
0x1f: {  	s10 =	smov.u32 s3;
	s13 =	sadd.s32 $0x1, s11;
	p1 =	slt.s32 s12, s4  }
0x20: {  	s11 =	smov.u32 s13;
	s10 =	smov.u32 @p1 s12  }
.LBB2_1:
0x21: {  	p1 =	sge.u32 s11, s8  }
0x22: {  	s12 =	sxor.u32 @!p1 $0xFFFFFFFF, s11  }
0x23: {  	s12 =	sand.u32 @!p1 $0x1, s12  }
0x24: {  	s12 =	smul.u32 @!p1 $0x190, s12  }
0x25: {  	s13 =	sshrl.u32 @!p1 s10, $0x3  }
0x26: {  	s16 =	sand.u32 @!p1 $0x7, s10;
	s14 =	sadd.s32 @!p1 s7, s13;
	s15 =	sor.u32 @!p1 $0x8, s12  }
0x27: {  	[tilespmem:s15], [sflag:$0x2] =	stream.linear.gather @!p1 [hbm4b:s14+s16], $0x190, $0x38;
	[tilespmem:$0x648] =	vst v63  }
0x28: {  	s13 =	sadd.s32 @!p1 s2, s13;
	s12 =	sadd.s32 @!p1 $0x328, s12  }
0x29: {  	[tilespmem:s12], [sflag:$0x2] =	stream.linear.gather @!p1 [hbm4b:s13+s16], $0x190, $0x38;
	[tilespmem:$0x648] =	vst v63  }
0x2a: {  	p1 =	seq.s32 s11, $0x0  }
.Ltmp2:
0x2b: {  	_ = 	snop;
	(pc) =	sbr.rel @p1 .LBB2_5-.Ltmp2, $1  }
0x2c: {  	_ =	sdelay $0x3  }
0x2d: {  	s12 =	sand.u32 $0x1, s11  }
0x2e: {  	_ =	swait.ge [sflag:s6], $0x320;
	p1 =	seq.s32 s12, $0x1;
	s12 =	simm.s32 $0x190  }
0x2f: {  	[sflag:s6] =	ssyncset.done $0x0;
	s12 =	simm.s32 @!p1 $0x0  }
0x30: {  	[sflag:s6] =	ssyncadd.s32 $0xFFFFFCE0;
	s14 =	sor.u32 $0x8, s12  }
0x31: {  	v0 =	vld.msk [tilespmem:s14+$0x0 ss:$0x1], $0xffff;
	_ =	sdelay $0x4  }
0x32: {  	v0 =	vmin.u32 v0, $0x80;
	_ =	sdelay $0x3  }
0x33: {  	s13 =	simm.s32 $0x0;
	s12 =	sadd.s32 $0x328, s12;
	s14 =	sadd.s32 $0x10, s14  }
0x34: {  	[spmem:s9] =	stream.indirect_vreg.scatter.add.s32 [tilespmem:s12], [sflag:$0x1], $0x1, v0, vm0, $0x4038;
	[tilespmem:$0x648] =	vst v63  }
.LBB2_3:
0x35: {  	v0 =	vld.msk [tilespmem:s14+$0x0 ss:$0x1], $0xffff;
	s13 =	sadd.s32 $0x10, s13  }
0x36: {  	p1 =	slt.u32 s13, $0x180;
	_ =	sdelay $0x4  }
0x37: {  	v0 =	vmin.u32 v0, $0x80  }
.Ltmp3:
0x38: {  	(pc) =	sbr.rel @p1 .LBB2_3-.Ltmp3, $3  }
0x39: {  	_ =	sdelay $0x1  }
0x3a: {  	s14 =	sadd.s32 $0x10, s14;
	s12 =	sadd.s32 $0x10, s12  }
0x3b: {  	[spmem:s9] =	stream.indirect_vreg.scatter.add.s32 [tilespmem:s12], [sflag:$0x1], $0x1, v0, vm0, $0x4038;
	[tilespmem:$0x648] =	vst v63  }
.Ltmp4:
0x3c: {  	(pc) =	sbr.rel .LBB2_5-.Ltmp4, $4  }
0x3d: {  	_ = 	snop  }
0x3e: {  	_ =	swait.ge [sflag:s5], $0x190  }
0x3f: {  	[sflag:s5] =	ssyncset.done $0x0  }
0x40: {  	[sflag:s5] =	ssyncadd.s32 $0xFFFFFE70  }
.LBB2_6:
0x41: {  	_ =	sfence.sel $0x180000  }
0x42: {  	s2 =	simm.s32 $0x2;
	[bflag:$0x0] =	sbarrier.arrive $0xFFFF  }
0x43: {  	s30 =	simm.s32 $0x1;
	[sflag:s2] =	ssyncpa.u1 $0x1  }
0x44: {  	[sflag:s30] =	ssyncpa.u1 $0x1  }
0x45: {  	_ =	sfence.stream.spmem  }
0x46: {  	s31 =	simm.s32 $0x3D;
	[bflag:$0x0] =	sbarrier.arrive $0xFFFF  }
0x47: {  	s2 =	simm.s32 @p0 $0x3D;
	[sflag:s31] =	ssyncpa.u1 $0x0  }
0x48: {  	[sflag:s2] =	ssyncpa.u1 @p0 $0x1  }
0x49: {  	[bflag:$0x0] =	sbarrier.arrive @p0 $0xFFFF  }
0x4a: {  	_ =	strace @p0 $0x9000004A  }
0x4b: {  	s3 =	simm.s32 @!p0 $0x1C3D;
	s2 =	simm.s32 @!p0 $0x0;
	[bflag:$0x2] =	sbarrier.arrive @p0 $0xFFFF  }
0x4c: {  	[hbm:s1], [sflag:s3] =	dma.local @!p0 [spmem:s2], $0x10  }
0x4d: {  	s1 =	simm.s32 @!p0 $0x3D  }
0x4e: {  	_ =	swait.ge @!p0 [sflag:s1], $0x10  }
0x4f: {  	[sflag:s1] =	ssyncset.done @!p0 $0x0  }
0x50: {  	[sflag:s1] =	ssyncadd.s32 @!p0 $0xFFFFFFF0  }
0x51: {  	[sflag:s1] =	ssyncpa.u1 @!p0 $0x1  }
0x52: {  	[bflag:$0x0] =	sbarrier.arrive @!p0 $0xFFFF  }
0x53: {  	_ =	strace @!p0 $0x9000004A  }
0x54: {  	s0 =	sadd.s32 @!p0 $0x100000, s0;
	[bflag:$0x2] =	sbarrier.arrive @!p0 $0xFFFF  }
0x55: {  	[sflag:s0] =	ssyncadd.tile.s32 @!p0 $0x1;
	_ =	shalt  }
.Lfunc_end2:
_tile_overlayer_lowered:
.L_overlay_start_2:
0x56: {  	(tag) =	ssettag $0x2  }
0x57: {  	s0 =	rddreg [dreg:$0x0];
	s2 =	stileid.u32  }
0x58: {  	s1 =	rddreg [dreg:$0x1];
	p0 =	sne.s32 s2, $0x0  }
0x59: {  	s3 =	rddreg [dreg:$0x2];
	[bflag:$0x3] =	sbarrier.arrive $0xFFFF;
	s2 =	simm.s32 @!p0 $0x1C01  }
0x5a: {  	[timem:s3], [sflag:s2] =	dma.local @!p0 [hbm:s0], s1  }
0x5b: {  	s0 =	simm.s32 @!p0 $0x1  }
0x5c: {  	_ =	swait.ge @!p0 [sflag:s0], s1  }
0x5d: {  	s1 =	ssub.s32 @!p0 $0x0, s1;
	[sflag:s0] =	ssyncset.done @!p0 $0x0  }
0x5e: {  	[sflag:s0] =	ssyncadd.s32 @!p0 s1  }
0x5f: {  	[bflag:$0x3] =	sbarrier.arrive $0xFFFF  }
0x60: {  	_ =	shalt  }

</sc_bundles>
